<compile_context>
chip_gen: v7x
topology: tpu7x:2x2x1
jax: 0.10.2.dev20260603
libtpu: 0.0.44.dev20260713+nightly
codegen_flags: <defaults>
</compile_context>

<pallas_src>
import functools

import jax
import jax.numpy as jnp
from jax import lax
from jax.experimental import pallas as pl
from jax.experimental.pallas import tpu as pltpu
from jax.experimental.pallas import tpu_sc as plsc

N = 10000
D = 128
E = 320000
NW = 32
C = 128
CH = 80
EPT = CH * C
NP = 10240
RPT = NP // 16


def _sc_aggregate(h, src3, dst3, zeros1d, zeros2d, ones1):
    mesh = plsc.VectorSubcoreMesh(core_axis_name="c", subcore_axis_name="s")

    @functools.partial(
        pl.kernel,
        mesh=mesh,
        out_type=[
            jax.ShapeDtypeStruct((2, NP, D), jnp.float32),
            jax.ShapeDtypeStruct((2, NP), jnp.float32),
        ],
        scratch_types=[
            pltpu.VMEM((CH, C), jnp.int32),
            pltpu.VMEM((CH, C), jnp.int32),
            pltpu.VMEM((C, D), jnp.float32),
            pltpu.VMEM((C,), jnp.float32),
            pltpu.VMEM_SHARED((NP, D), jnp.float32),
            pltpu.VMEM_SHARED((NP,), jnp.float32),
            pltpu.SemaphoreType.DMA,
        ],
    )
    def k(h_hbm, src_hbm, dst_hbm, z1_hbm, z2_hbm, on_hbm,
          agg_out, deg_out,
          src_v, dst_v, rows_v, ones_v, acc_sh, deg_sh, sem):
        cid = lax.axis_index("c")
        sid = lax.axis_index("s")
        wid = cid * 16 + sid
        base = sid * RPT

        pltpu.sync_copy(z2_hbm, rows_v)
        for t in range(RPT // C):
            pltpu.sync_copy(rows_v, acc_sh.at[pl.ds(base + t * C, C)])
        pltpu.sync_copy(z1_hbm.at[pl.ds(base, RPT)], deg_sh.at[pl.ds(base, RPT)])
        pltpu.sync_copy(on_hbm, ones_v)
        pltpu.sync_copy(src_hbm.at[wid], src_v)
        pltpu.sync_copy(dst_hbm.at[wid], dst_v)
        plsc.subcore_barrier()

        def body(j, carry):
            pltpu.async_copy(h_hbm.at[src_v.at[j]], rows_v, sem).wait()
            pltpu.sync_copy(rows_v, acc_sh.at[dst_v.at[j]], add=True)
            pltpu.sync_copy(ones_v, deg_sh.at[dst_v.at[j]], add=True)
            return carry

        lax.fori_loop(0, CH, body, 0)
        plsc.subcore_barrier()

        pltpu.sync_copy(acc_sh.at[pl.ds(base, RPT)],
                        agg_out.at[cid, pl.ds(base, RPT)])
        pltpu.sync_copy(deg_sh.at[pl.ds(base, RPT)],
                        deg_out.at[cid, pl.ds(base, RPT)])

    return k(h, src3, dst3, zeros1d, zeros2d, ones1)


def _tc_combine(pp, dd, hx, Wl, Wr, b, relu):

    def body(pp_ref, dd_ref, x_ref, wl_ref, wr_ref, b_ref, o_ref):
        agg = pp_ref[0] + pp_ref[1]
        deg = dd_ref[0] + dd_ref[1]
        inv = 1.0 / jnp.maximum(deg, 1.0)
        mean = agg * inv[:, None]
        acc = jnp.dot(mean, wl_ref[...], preferred_element_type=jnp.float32)
        acc = acc + jnp.dot(x_ref[...], wr_ref[...],
                            preferred_element_type=jnp.float32)
        acc = acc + b_ref[...][None, :]
        if relu:
            acc = jnp.maximum(acc, 0.0)
        o_ref[...] = acc

    return pl.pallas_call(
        body,
        out_shape=jax.ShapeDtypeStruct((N, D), jnp.float32),
    )(pp, dd, hx, Wl, Wr, b)


def kernel(x, edge_index, W1l, W1r, b1, W2l, W2r, b2):
    src = edge_index[0]
    dst = edge_index[1]
    pad = NW * EPT - E
    src3 = jnp.concatenate([src, jnp.zeros((pad,), jnp.int32)]).reshape(NW, CH, C)
    dst3 = jnp.concatenate([dst, jnp.full((pad,), NP - 1, jnp.int32)]).reshape(NW, CH, C)
    zeros1d = jnp.zeros((NP,), jnp.float32)
    zeros2d = jnp.zeros((C, D), jnp.float32)
    ones1 = jnp.ones((C,), jnp.float32)

    pp1, dd = _sc_aggregate(x, src3, dst3, zeros1d, zeros2d, ones1)
    dds = dd[:, :N]
    h1 = _tc_combine(pp1[:, :N], dds, x, W1l, W1r, b1, True)
    pp2, _ = _sc_aggregate(h1, src3, dst3, zeros1d, zeros2d, ones1)
    out = _tc_combine(pp2[:, :N], dds, h1, W2l, W2r, b2, False)
    return out

# --- scband reference (transcript-rebuilt; emitter-appended) ---
"""Pipeline reference for scband-sageencoder-18915035972101 (READ-ONLY COPY).

The authoritative reference and input builder live on the scoring server;
editing this copy changes nothing except your own understanding.
"""

import jax, jax.numpy as jnp
import numpy as np

N_NODES = 10000
N_EDGES = 320000
D_IN = 128
D_HID = 128
D_OUT = 128


def setup_inputs(seed: int = 0) -> dict:
    key = jax.random.key(seed)
    ks = jax.random.split(key, 9)
    x = jax.random.normal(ks[0], (N_NODES, D_IN), dtype=jnp.float32)
    edge_index = jax.random.randint(ks[1], (2, N_EDGES), 0, N_NODES, dtype=jnp.int32)
    s1 = 1.0 / np.sqrt(D_IN)
    s2 = 1.0 / np.sqrt(D_HID)
    W1l = jax.random.normal(ks[2], (D_IN, D_HID), dtype=jnp.float32) * s1
    W1r = jax.random.normal(ks[3], (D_IN, D_HID), dtype=jnp.float32) * s1
    b1 = jnp.zeros((D_HID,), dtype=jnp.float32)
    W2l = jax.random.normal(ks[4], (D_HID, D_OUT), dtype=jnp.float32) * s2
    W2r = jax.random.normal(ks[5], (D_HID, D_OUT), dtype=jnp.float32) * s2
    b2 = jnp.zeros((D_OUT,), dtype=jnp.float32)
    return {"x": x, "edge_index": edge_index, "W1l": W1l, "W1r": W1r, "b1": b1,
            "W2l": W2l, "W2r": W2r, "b2": b2}


def _sage_conv(h, src, dst, Wl, Wr, b):
    # message: x_j gathered from source nodes
    msgs = jnp.take(h, src, axis=0)
    # mean aggregation at destination nodes
    agg = jax.ops.segment_sum(msgs, dst, num_segments=N_NODES)
    deg = jax.ops.segment_sum(jnp.ones((src.shape[0],), dtype=h.dtype), dst, num_segments=N_NODES)
    mean = agg / jnp.clip(deg, 1.0)[:, None]
    # out = lin_l(mean_aggr) + lin_r(x_self)
    return mean @ Wl + h @ Wr + b


def reference(x, edge_index, W1l, W1r, b1, W2l, W2r, b2):
    src = edge_index[0]
    dst = edge_index[1]
    h = _sage_conv(x, src, dst, W1l, W1r, b1)
    h = jax.nn.relu(h)  # dropout_rate=0.0 -> identity
    out = _sage_conv(h, src, dst, W2l, W2r, b2)
    return out

if __name__ == "__main__":
    import jax
    _d = setup_inputs()
    print(jax.jit(kernel)(*tuple(_d.values())))

</pallas_src>

<mosaic_0001>
#map = affine_map<(d0, d1) -> (0, 0)>
#map1 = affine_map<(d0, d1) -> (0, 0, 0)>
#map2 = affine_map<(d0, d1) -> (0)>
module attributes {stable_mosaic.version = 14 : i64} {
  func.func @k(%arg0: i32, %arg1: i32, %arg2: memref<10000x128xf32, #tpu.memory_space<hbm>>, %arg3: memref<32x80x128xi32, #tpu.memory_space<hbm>>, %arg4: memref<32x80x128xi32, #tpu.memory_space<hbm>>, %arg5: memref<10240xf32, #tpu.memory_space<hbm>>, %arg6: memref<128x128xf32, #tpu.memory_space<hbm>>, %arg7: memref<128xf32, #tpu.memory_space<hbm>>, %arg8: memref<2x10240x128xf32, #tpu.memory_space<hbm>>, %arg9: memref<2x10240xf32, #tpu.memory_space<hbm>>, %arg10: memref<80x128xi32, #tpu.memory_space<vmem>>, %arg11: memref<80x128xi32, #tpu.memory_space<vmem>>, %arg12: memref<128x128xf32, #tpu.memory_space<vmem>>, %arg13: memref<128xf32, #tpu.memory_space<vmem>>, %arg14: memref<10240x128xf32, #tpu.memory_space<vmem_shared>>, %arg15: memref<10240xf32, #tpu.memory_space<vmem_shared>>, %arg16: memref<!tpu.dma_semaphore, #tpu.memory_space<semaphore_mem>>) attributes {dimension_semantics = [#tpu.dimension_semantics<core_parallel>, #tpu.dimension_semantics<subcore_parallel>], iteration_bounds = array<i64: 2, 16>, scalar_prefetch = 0 : i64, scratch_operands = 7 : i64, tpu.core_type = #tpu.core_type<sc_vector_subcore>, window_params = [{transform_indices = #map}, {transform_indices = #map1}, {transform_indices = #map1}, {transform_indices = #map2}, {transform_indices = #map}, {transform_indices = #map2}, {transform_indices = #map1}, {transform_indices = #map}]} {
    %mul3A = arith.constant 16 : i32
    %mul3A_0 = arith.muli %arg0, %mul3A : i32
    %add3A = arith.addi %mul3A_0, %arg1 : i32
    %mul3A_1 = arith.constant 640 : i32
    %mul3A_2 = arith.muli %arg1, %mul3A_1 : i32
    "tpu.region"() ({
      %run_scoped3A = tpu.sem_alloc : memref<!tpu.dma_semaphore, #tpu.memory_space<semaphore_mem>>
      tpu.enqueue_dma source(%arg6 : memref<128x128xf32, #tpu.memory_space<hbm>>) target(%arg12 : memref<128x128xf32, #tpu.memory_space<vmem>>) target_semaphore(%run_scoped3A : memref<!tpu.dma_semaphore, #tpu.memory_space<semaphore_mem>>)
      tpu.wait_dma2 semaphore(%run_scoped3A : memref<!tpu.dma_semaphore, #tpu.memory_space<semaphore_mem>>) src(%arg6 : memref<128x128xf32, #tpu.memory_space<hbm>>) dst(%arg12 : memref<128x128xf32, #tpu.memory_space<vmem>>)
      tpu.yield
    }) : () -> ()
    %add3A_3 = arith.constant 0 : i32
    %add3A_4 = arith.addi %mul3A_2, %add3A_3 : i32
    "tpu.region"() ({
      %run_scoped3A = tpu.sem_alloc : memref<!tpu.dma_semaphore, #tpu.memory_space<semaphore_mem>>
      %dma_start3A = arith.constant 0 : i32
      %dma_start3A_19 = tpu.memref_slice %arg14[%add3A_4, %dma_start3A] : memref<10240x128xf32, #tpu.memory_space<vmem_shared>> -> memref<128x128xf32, #tpu.memory_space<vmem_shared>>
      %dma_start3A_20 = arith.constant 0 : i32
      %dma_start3A_21 = tpu.memref_slice %arg14[%add3A_4, %dma_start3A_20] : memref<10240x128xf32, #tpu.memory_space<vmem_shared>> -> memref<128x128xf32, #tpu.memory_space<vmem_shared>>
      tpu.enqueue_dma source(%arg12 : memref<128x128xf32, #tpu.memory_space<vmem>>) target(%dma_start3A_21 : memref<128x128xf32, #tpu.memory_space<vmem_shared>>) target_semaphore(%run_scoped3A : memref<!tpu.dma_semaphore, #tpu.memory_space<semaphore_mem>>)
      %dma_wait3A = arith.constant 0 : i32
      %dma_wait3A_22 = tpu.memref_slice %arg14[%add3A_4, %dma_wait3A] : memref<10240x128xf32, #tpu.memory_space<vmem_shared>> -> memref<128x128xf32, #tpu.memory_space<vmem_shared>>
      %dma_wait3A_23 = arith.constant 0 : i32
      %dma_wait3A_24 = tpu.memref_slice %arg14[%add3A_4, %dma_wait3A_23] : memref<10240x128xf32, #tpu.memory_space<vmem_shared>> -> memref<128x128xf32, #tpu.memory_space<vmem_shared>>
      tpu.wait_dma2 semaphore(%run_scoped3A : memref<!tpu.dma_semaphore, #tpu.memory_space<semaphore_mem>>) src(%arg12 : memref<128x128xf32, #tpu.memory_space<vmem>>) dst(%dma_wait3A_24 : memref<128x128xf32, #tpu.memory_space<vmem_shared>>)
      tpu.yield
    }) : () -> ()
    %add3A_5 = arith.constant 128 : i32
    %add3A_6 = arith.addi %mul3A_2, %add3A_5 : i32
    "tpu.region"() ({
      %run_scoped3A = tpu.sem_alloc : memref<!tpu.dma_semaphore, #tpu.memory_space<semaphore_mem>>
      %dma_start3A = arith.constant 0 : i32
      %dma_start3A_19 = tpu.memref_slice %arg14[%add3A_6, %dma_start3A] : memref<10240x128xf32, #tpu.memory_space<vmem_shared>> -> memref<128x128xf32, #tpu.memory_space<vmem_shared>>
      %dma_start3A_20 = arith.constant 0 : i32
      %dma_start3A_21 = tpu.memref_slice %arg14[%add3A_6, %dma_start3A_20] : memref<10240x128xf32, #tpu.memory_space<vmem_shared>> -> memref<128x128xf32, #tpu.memory_space<vmem_shared>>
      tpu.enqueue_dma source(%arg12 : memref<128x128xf32, #tpu.memory_space<vmem>>) target(%dma_start3A_21 : memref<128x128xf32, #tpu.memory_space<vmem_shared>>) target_semaphore(%run_scoped3A : memref<!tpu.dma_semaphore, #tpu.memory_space<semaphore_mem>>)
      %dma_wait3A = arith.constant 0 : i32
      %dma_wait3A_22 = tpu.memref_slice %arg14[%add3A_6, %dma_wait3A] : memref<10240x128xf32, #tpu.memory_space<vmem_shared>> -> memref<128x128xf32, #tpu.memory_space<vmem_shared>>
      %dma_wait3A_23 = arith.constant 0 : i32
      %dma_wait3A_24 = tpu.memref_slice %arg14[%add3A_6, %dma_wait3A_23] : memref<10240x128xf32, #tpu.memory_space<vmem_shared>> -> memref<128x128xf32, #tpu.memory_space<vmem_shared>>
      tpu.wait_dma2 semaphore(%run_scoped3A : memref<!tpu.dma_semaphore, #tpu.memory_space<semaphore_mem>>) src(%arg12 : memref<128x128xf32, #tpu.memory_space<vmem>>) dst(%dma_wait3A_24 : memref<128x128xf32, #tpu.memory_space<vmem_shared>>)
      tpu.yield
    }) : () -> ()
    %add3A_7 = arith.constant 256 : i32
    %add3A_8 = arith.addi %mul3A_2, %add3A_7 : i32
    "tpu.region"() ({
      %run_scoped3A = tpu.sem_alloc : memref<!tpu.dma_semaphore, #tpu.memory_space<semaphore_mem>>
      %dma_start3A = arith.constant 0 : i32
      %dma_start3A_19 = tpu.memref_slice %arg14[%add3A_8, %dma_start3A] : memref<10240x128xf32, #tpu.memory_space<vmem_shared>> -> memref<128x128xf32, #tpu.memory_space<vmem_shared>>
      %dma_start3A_20 = arith.constant 0 : i32
      %dma_start3A_21 = tpu.memref_slice %arg14[%add3A_8, %dma_start3A_20] : memref<10240x128xf32, #tpu.memory_space<vmem_shared>> -> memref<128x128xf32, #tpu.memory_space<vmem_shared>>
      tpu.enqueue_dma source(%arg12 : memref<128x128xf32, #tpu.memory_space<vmem>>) target(%dma_start3A_21 : memref<128x128xf32, #tpu.memory_space<vmem_shared>>) target_semaphore(%run_scoped3A : memref<!tpu.dma_semaphore, #tpu.memory_space<semaphore_mem>>)
      %dma_wait3A = arith.constant 0 : i32
      %dma_wait3A_22 = tpu.memref_slice %arg14[%add3A_8, %dma_wait3A] : memref<10240x128xf32, #tpu.memory_space<vmem_shared>> -> memref<128x128xf32, #tpu.memory_space<vmem_shared>>
      %dma_wait3A_23 = arith.constant 0 : i32
      %dma_wait3A_24 = tpu.memref_slice %arg14[%add3A_8, %dma_wait3A_23] : memref<10240x128xf32, #tpu.memory_space<vmem_shared>> -> memref<128x128xf32, #tpu.memory_space<vmem_shared>>
      tpu.wait_dma2 semaphore(%run_scoped3A : memref<!tpu.dma_semaphore, #tpu.memory_space<semaphore_mem>>) src(%arg12 : memref<128x128xf32, #tpu.memory_space<vmem>>) dst(%dma_wait3A_24 : memref<128x128xf32, #tpu.memory_space<vmem_shared>>)
      tpu.yield
    }) : () -> ()
    %add3A_9 = arith.constant 384 : i32
    %add3A_10 = arith.addi %mul3A_2, %add3A_9 : i32
    "tpu.region"() ({
      %run_scoped3A = tpu.sem_alloc : memref<!tpu.dma_semaphore, #tpu.memory_space<semaphore_mem>>
      %dma_start3A = arith.constant 0 : i32
      %dma_start3A_19 = tpu.memref_slice %arg14[%add3A_10, %dma_start3A] : memref<10240x128xf32, #tpu.memory_space<vmem_shared>> -> memref<128x128xf32, #tpu.memory_space<vmem_shared>>
      %dma_start3A_20 = arith.constant 0 : i32
      %dma_start3A_21 = tpu.memref_slice %arg14[%add3A_10, %dma_start3A_20] : memref<10240x128xf32, #tpu.memory_space<vmem_shared>> -> memref<128x128xf32, #tpu.memory_space<vmem_shared>>
      tpu.enqueue_dma source(%arg12 : memref<128x128xf32, #tpu.memory_space<vmem>>) target(%dma_start3A_21 : memref<128x128xf32, #tpu.memory_space<vmem_shared>>) target_semaphore(%run_scoped3A : memref<!tpu.dma_semaphore, #tpu.memory_space<semaphore_mem>>)
      %dma_wait3A = arith.constant 0 : i32
      %dma_wait3A_22 = tpu.memref_slice %arg14[%add3A_10, %dma_wait3A] : memref<10240x128xf32, #tpu.memory_space<vmem_shared>> -> memref<128x128xf32, #tpu.memory_space<vmem_shared>>
      %dma_wait3A_23 = arith.constant 0 : i32
      %dma_wait3A_24 = tpu.memref_slice %arg14[%add3A_10, %dma_wait3A_23] : memref<10240x128xf32, #tpu.memory_space<vmem_shared>> -> memref<128x128xf32, #tpu.memory_space<vmem_shared>>
      tpu.wait_dma2 semaphore(%run_scoped3A : memref<!tpu.dma_semaphore, #tpu.memory_space<semaphore_mem>>) src(%arg12 : memref<128x128xf32, #tpu.memory_space<vmem>>) dst(%dma_wait3A_24 : memref<128x128xf32, #tpu.memory_space<vmem_shared>>)
      tpu.yield
    }) : () -> ()
    %add3A_11 = arith.constant 512 : i32
    %add3A_12 = arith.addi %mul3A_2, %add3A_11 : i32
    "tpu.region"() ({
      %run_scoped3A = tpu.sem_alloc : memref<!tpu.dma_semaphore, #tpu.memory_space<semaphore_mem>>
      %dma_start3A = arith.constant 0 : i32
      %dma_start3A_19 = tpu.memref_slice %arg14[%add3A_12, %dma_start3A] : memref<10240x128xf32, #tpu.memory_space<vmem_shared>> -> memref<128x128xf32, #tpu.memory_space<vmem_shared>>
      %dma_start3A_20 = arith.constant 0 : i32
      %dma_start3A_21 = tpu.memref_slice %arg14[%add3A_12, %dma_start3A_20] : memref<10240x128xf32, #tpu.memory_space<vmem_shared>> -> memref<128x128xf32, #tpu.memory_space<vmem_shared>>
      tpu.enqueue_dma source(%arg12 : memref<128x128xf32, #tpu.memory_space<vmem>>) target(%dma_start3A_21 : memref<128x128xf32, #tpu.memory_space<vmem_shared>>) target_semaphore(%run_scoped3A : memref<!tpu.dma_semaphore, #tpu.memory_space<semaphore_mem>>)
      %dma_wait3A = arith.constant 0 : i32
      %dma_wait3A_22 = tpu.memref_slice %arg14[%add3A_12, %dma_wait3A] : memref<10240x128xf32, #tpu.memory_space<vmem_shared>> -> memref<128x128xf32, #tpu.memory_space<vmem_shared>>
      %dma_wait3A_23 = arith.constant 0 : i32
      %dma_wait3A_24 = tpu.memref_slice %arg14[%add3A_12, %dma_wait3A_23] : memref<10240x128xf32, #tpu.memory_space<vmem_shared>> -> memref<128x128xf32, #tpu.memory_space<vmem_shared>>
      tpu.wait_dma2 semaphore(%run_scoped3A : memref<!tpu.dma_semaphore, #tpu.memory_space<semaphore_mem>>) src(%arg12 : memref<128x128xf32, #tpu.memory_space<vmem>>) dst(%dma_wait3A_24 : memref<128x128xf32, #tpu.memory_space<vmem_shared>>)
      tpu.yield
    }) : () -> ()
    "tpu.region"() ({
      %run_scoped3A = tpu.sem_alloc : memref<!tpu.dma_semaphore, #tpu.memory_space<semaphore_mem>>
      %dma_start3A = tpu.memref_slice %arg15[%mul3A_2] : memref<10240xf32, #tpu.memory_space<vmem_shared>> -> memref<640xf32, #tpu.memory_space<vmem_shared>>
      %dma_start3A_19 = tpu.memref_slice %arg5[%mul3A_2] : memref<10240xf32, #tpu.memory_space<hbm>> -> memref<640xf32, #tpu.memory_space<hbm>>
      tpu.enqueue_dma source(%dma_start3A_19 : memref<640xf32, #tpu.memory_space<hbm>>) target(%dma_start3A : memref<640xf32, #tpu.memory_space<vmem_shared>>) target_semaphore(%run_scoped3A : memref<!tpu.dma_semaphore, #tpu.memory_space<semaphore_mem>>)
      %dma_wait3A = tpu.memref_slice %arg15[%mul3A_2] : memref<10240xf32, #tpu.memory_space<vmem_shared>> -> memref<640xf32, #tpu.memory_space<vmem_shared>>
      %dma_wait3A_20 = tpu.memref_slice %arg5[%mul3A_2] : memref<10240xf32, #tpu.memory_space<hbm>> -> memref<640xf32, #tpu.memory_space<hbm>>
      tpu.wait_dma2 semaphore(%run_scoped3A : memref<!tpu.dma_semaphore, #tpu.memory_space<semaphore_mem>>) src(%dma_wait3A_20 : memref<640xf32, #tpu.memory_space<hbm>>) dst(%dma_wait3A : memref<640xf32, #tpu.memory_space<vmem_shared>>)
      tpu.yield
    }) : () -> ()
    "tpu.region"() ({
      %run_scoped3A = tpu.sem_alloc : memref<!tpu.dma_semaphore, #tpu.memory_space<semaphore_mem>>
      tpu.enqueue_dma source(%arg7 : memref<128xf32, #tpu.memory_space<hbm>>) target(%arg13 : memref<128xf32, #tpu.memory_space<vmem>>) target_semaphore(%run_scoped3A : memref<!tpu.dma_semaphore, #tpu.memory_space<semaphore_mem>>)
      tpu.wait_dma2 semaphore(%run_scoped3A : memref<!tpu.dma_semaphore, #tpu.memory_space<semaphore_mem>>) src(%arg7 : memref<128xf32, #tpu.memory_space<hbm>>) dst(%arg13 : memref<128xf32, #tpu.memory_space<vmem>>)
      tpu.yield
    }) : () -> ()
    "tpu.region"() ({
      %run_scoped3A = tpu.sem_alloc : memref<!tpu.dma_semaphore, #tpu.memory_space<semaphore_mem>>
      %dma_start3A = arith.constant 0 : i32
      %dma_start3A_19 = arith.constant 0 : i32
      %dma_start3A_20 = tpu.memref_slice %arg3[%add3A, %dma_start3A, %dma_start3A_19] : memref<32x80x128xi32, #tpu.memory_space<hbm>> -> memref<1x80x128xi32, #tpu.memory_space<hbm>>
      %dma_start3A_21 = tpu.memref_squeeze %dma_start3A_20 : memref<1x80x128xi32, #tpu.memory_space<hbm>> -> memref<80x128xi32, #tpu.memory_space<hbm>>
      %dma_start3A_22 = arith.constant 0 : i32
      %dma_start3A_23 = arith.constant 0 : i32
      %dma_start3A_24 = tpu.memref_slice %arg3[%add3A, %dma_start3A_22, %dma_start3A_23] : memref<32x80x128xi32, #tpu.memory_space<hbm>> -> memref<1x80x128xi32, #tpu.memory_space<hbm>>
      %dma_start3A_25 = tpu.memref_squeeze %dma_start3A_24 : memref<1x80x128xi32, #tpu.memory_space<hbm>> -> memref<80x128xi32, #tpu.memory_space<hbm>>
      tpu.enqueue_dma source(%dma_start3A_25 : memref<80x128xi32, #tpu.memory_space<hbm>>) target(%arg10 : memref<80x128xi32, #tpu.memory_space<vmem>>) target_semaphore(%run_scoped3A : memref<!tpu.dma_semaphore, #tpu.memory_space<semaphore_mem>>)
      %dma_wait3A = arith.constant 0 : i32
      %dma_wait3A_26 = arith.constant 0 : i32
      %dma_wait3A_27 = tpu.memref_slice %arg3[%add3A, %dma_wait3A, %dma_wait3A_26] : memref<32x80x128xi32, #tpu.memory_space<hbm>> -> memref<1x80x128xi32, #tpu.memory_space<hbm>>
      %dma_wait3A_28 = tpu.memref_squeeze %dma_wait3A_27 : memref<1x80x128xi32, #tpu.memory_space<hbm>> -> memref<80x128xi32, #tpu.memory_space<hbm>>
      %dma_wait3A_29 = arith.constant 0 : i32
      %dma_wait3A_30 = arith.constant 0 : i32
      %dma_wait3A_31 = tpu.memref_slice %arg3[%add3A, %dma_wait3A_29, %dma_wait3A_30] : memref<32x80x128xi32, #tpu.memory_space<hbm>> -> memref<1x80x128xi32, #tpu.memory_space<hbm>>
      %dma_wait3A_32 = tpu.memref_squeeze %dma_wait3A_31 : memref<1x80x128xi32, #tpu.memory_space<hbm>> -> memref<80x128xi32, #tpu.memory_space<hbm>>
      tpu.wait_dma2 semaphore(%run_scoped3A : memref<!tpu.dma_semaphore, #tpu.memory_space<semaphore_mem>>) src(%dma_wait3A_32 : memref<80x128xi32, #tpu.memory_space<hbm>>) dst(%arg10 : memref<80x128xi32, #tpu.memory_space<vmem>>)
      tpu.yield
    }) : () -> ()
    "tpu.region"() ({
      %run_scoped3A = tpu.sem_alloc : memref<!tpu.dma_semaphore, #tpu.memory_space<semaphore_mem>>
      %dma_start3A = arith.constant 0 : i32
      %dma_start3A_19 = arith.constant 0 : i32
      %dma_start3A_20 = tpu.memref_slice %arg4[%add3A, %dma_start3A, %dma_start3A_19] : memref<32x80x128xi32, #tpu.memory_space<hbm>> -> memref<1x80x128xi32, #tpu.memory_space<hbm>>
      %dma_start3A_21 = tpu.memref_squeeze %dma_start3A_20 : memref<1x80x128xi32, #tpu.memory_space<hbm>> -> memref<80x128xi32, #tpu.memory_space<hbm>>
      %dma_start3A_22 = arith.constant 0 : i32
      %dma_start3A_23 = arith.constant 0 : i32
      %dma_start3A_24 = tpu.memref_slice %arg4[%add3A, %dma_start3A_22, %dma_start3A_23] : memref<32x80x128xi32, #tpu.memory_space<hbm>> -> memref<1x80x128xi32, #tpu.memory_space<hbm>>
      %dma_start3A_25 = tpu.memref_squeeze %dma_start3A_24 : memref<1x80x128xi32, #tpu.memory_space<hbm>> -> memref<80x128xi32, #tpu.memory_space<hbm>>
      tpu.enqueue_dma source(%dma_start3A_25 : memref<80x128xi32, #tpu.memory_space<hbm>>) target(%arg11 : memref<80x128xi32, #tpu.memory_space<vmem>>) target_semaphore(%run_scoped3A : memref<!tpu.dma_semaphore, #tpu.memory_space<semaphore_mem>>)
      %dma_wait3A = arith.constant 0 : i32
      %dma_wait3A_26 = arith.constant 0 : i32
      %dma_wait3A_27 = tpu.memref_slice %arg4[%add3A, %dma_wait3A, %dma_wait3A_26] : memref<32x80x128xi32, #tpu.memory_space<hbm>> -> memref<1x80x128xi32, #tpu.memory_space<hbm>>
      %dma_wait3A_28 = tpu.memref_squeeze %dma_wait3A_27 : memref<1x80x128xi32, #tpu.memory_space<hbm>> -> memref<80x128xi32, #tpu.memory_space<hbm>>
      %dma_wait3A_29 = arith.constant 0 : i32
      %dma_wait3A_30 = arith.constant 0 : i32
      %dma_wait3A_31 = tpu.memref_slice %arg4[%add3A, %dma_wait3A_29, %dma_wait3A_30] : memref<32x80x128xi32, #tpu.memory_space<hbm>> -> memref<1x80x128xi32, #tpu.memory_space<hbm>>
      %dma_wait3A_32 = tpu.memref_squeeze %dma_wait3A_31 : memref<1x80x128xi32, #tpu.memory_space<hbm>> -> memref<80x128xi32, #tpu.memory_space<hbm>>
      tpu.wait_dma2 semaphore(%run_scoped3A : memref<!tpu.dma_semaphore, #tpu.memory_space<semaphore_mem>>) src(%dma_wait3A_32 : memref<80x128xi32, #tpu.memory_space<hbm>>) dst(%arg11 : memref<80x128xi32, #tpu.memory_space<vmem>>)
      tpu.yield
    }) : () -> ()
    %barrier3A = arith.constant 0 : index
    tpu.barrier barrier_id(%barrier3A)
    %scan3A = arith.constant 0 : i32
    %scan3A_13 = arith.constant 0 : i32
    %scan3A_14 = arith.constant 80 : i32
    %scan3A_15 = arith.addi %scan3A_13, %scan3A_14 : i32
    %scan3A_16 = arith.constant 1 : i32
    scf.for %scan3A_19 = %scan3A_13 to %scan3A_15 step %scan3A_16  : i32 {
      %dma_start3A = arith.constant 0 : i32
      %dma_start3A_20 = tpu.memref_slice %arg10[%scan3A_19, %dma_start3A] : memref<80x128xi32, #tpu.memory_space<vmem>> -> memref<1x128xi32, #tpu.memory_space<vmem>>
      %dma_start3A_21 = tpu.memref_squeeze %dma_start3A_20 : memref<1x128xi32, #tpu.memory_space<vmem>> -> memref<128xi32, #tpu.memory_space<vmem>>
      %dma_start3A_22 = arith.constant 0 : i32
      %dma_start3A_23 = arith.constant 0 : i32
      %dma_start3A_24 = tpu.memref_slice %arg2[%dma_start3A_22, %dma_start3A_23] : memref<10000x128xf32, #tpu.memory_space<hbm>> -> memref<10000x128xf32, #tpu.memory_space<hbm>>
      tpu.enqueue_indirect_dma source(%dma_start3A_24 : memref<10000x128xf32, #tpu.memory_space<hbm>>) target(%arg12 : memref<128x128xf32, #tpu.memory_space<vmem>>) offsets(%dma_start3A_21 : memref<128xi32, #tpu.memory_space<vmem>>) semaphore(%arg16 : memref<!tpu.dma_semaphore, #tpu.memory_space<semaphore_mem>>)
      %dma_wait3A = arith.constant 0 : i32
      %dma_wait3A_25 = tpu.memref_slice %arg10[%scan3A_19, %dma_wait3A] : memref<80x128xi32, #tpu.memory_space<vmem>> -> memref<1x128xi32, #tpu.memory_space<vmem>>
      %dma_wait3A_26 = tpu.memref_squeeze %dma_wait3A_25 : memref<1x128xi32, #tpu.memory_space<vmem>> -> memref<128xi32, #tpu.memory_space<vmem>>
      %dma_wait3A_27 = arith.constant 0 : i32
      %dma_wait3A_28 = arith.constant 0 : i32
      %dma_wait3A_29 = tpu.memref_slice %arg2[%dma_wait3A_27, %dma_wait3A_28] : memref<10000x128xf32, #tpu.memory_space<hbm>> -> memref<10000x128xf32, #tpu.memory_space<hbm>>
      tpu.wait_indirect_dma semaphore(%arg16 : memref<!tpu.dma_semaphore, #tpu.memory_space<semaphore_mem>>) src(%dma_wait3A_29 : memref<10000x128xf32, #tpu.memory_space<hbm>>) dst(%arg12 : memref<128x128xf32, #tpu.memory_space<vmem>>)
      "tpu.region"() ({
        %run_scoped3A = tpu.sem_alloc : memref<!tpu.dma_semaphore, #tpu.memory_space<semaphore_mem>>
        %dma_start3A_30 = arith.constant 0 : i32
        %dma_start3A_31 = tpu.memref_slice %arg11[%scan3A_19, %dma_start3A_30] : memref<80x128xi32, #tpu.memory_space<vmem>> -> memref<1x128xi32, #tpu.memory_space<vmem>>
        %dma_start3A_32 = tpu.memref_squeeze %dma_start3A_31 : memref<1x128xi32, #tpu.memory_space<vmem>> -> memref<128xi32, #tpu.memory_space<vmem>>
        %dma_start3A_33 = arith.constant 0 : i32
        %dma_start3A_34 = arith.constant 0 : i32
        %dma_start3A_35 = tpu.memref_slice %arg14[%dma_start3A_33, %dma_start3A_34] : memref<10240x128xf32, #tpu.memory_space<vmem_shared>> -> memref<10240x128xf32, #tpu.memory_space<vmem_shared>>
        tpu.enqueue_indirect_dma source(%arg12 : memref<128x128xf32, #tpu.memory_space<vmem>>) target(%dma_start3A_35 : memref<10240x128xf32, #tpu.memory_space<vmem_shared>>) offsets(%dma_start3A_32 : memref<128xi32, #tpu.memory_space<vmem>>) semaphore(%run_scoped3A : memref<!tpu.dma_semaphore, #tpu.memory_space<semaphore_mem>>) {add = true}
        %dma_wait3A_36 = arith.constant 0 : i32
        %dma_wait3A_37 = tpu.memref_slice %arg11[%scan3A_19, %dma_wait3A_36] : memref<80x128xi32, #tpu.memory_space<vmem>> -> memref<1x128xi32, #tpu.memory_space<vmem>>
        %dma_wait3A_38 = tpu.memref_squeeze %dma_wait3A_37 : memref<1x128xi32, #tpu.memory_space<vmem>> -> memref<128xi32, #tpu.memory_space<vmem>>
        %dma_wait3A_39 = arith.constant 0 : i32
        %dma_wait3A_40 = arith.constant 0 : i32
        %dma_wait3A_41 = tpu.memref_slice %arg14[%dma_wait3A_39, %dma_wait3A_40] : memref<10240x128xf32, #tpu.memory_space<vmem_shared>> -> memref<10240x128xf32, #tpu.memory_space<vmem_shared>>
        tpu.wait_indirect_dma semaphore(%run_scoped3A : memref<!tpu.dma_semaphore, #tpu.memory_space<semaphore_mem>>) src(%arg12 : memref<128x128xf32, #tpu.memory_space<vmem>>) dst(%dma_wait3A_41 : memref<10240x128xf32, #tpu.memory_space<vmem_shared>>)
        tpu.yield
      }) : () -> ()
      "tpu.region"() ({
        %run_scoped3A = tpu.sem_alloc : memref<!tpu.dma_semaphore, #tpu.memory_space<semaphore_mem>>
        %dma_start3A_30 = arith.constant 0 : i32
        %dma_start3A_31 = tpu.memref_slice %arg11[%scan3A_19, %dma_start3A_30] : memref<80x128xi32, #tpu.memory_space<vmem>> -> memref<1x128xi32, #tpu.memory_space<vmem>>
        %dma_start3A_32 = tpu.memref_squeeze %dma_start3A_31 : memref<1x128xi32, #tpu.memory_space<vmem>> -> memref<128xi32, #tpu.memory_space<vmem>>
        %dma_start3A_33 = arith.constant 0 : i32
        %dma_start3A_34 = tpu.memref_slice %arg15[%dma_start3A_33] : memref<10240xf32, #tpu.memory_space<vmem_shared>> -> memref<10240xf32, #tpu.memory_space<vmem_shared>>
        tpu.enqueue_indirect_dma source(%arg13 : memref<128xf32, #tpu.memory_space<vmem>>) target(%dma_start3A_34 : memref<10240xf32, #tpu.memory_space<vmem_shared>>) offsets(%dma_start3A_32 : memref<128xi32, #tpu.memory_space<vmem>>) semaphore(%run_scoped3A : memref<!tpu.dma_semaphore, #tpu.memory_space<semaphore_mem>>) {add = true}
        %dma_wait3A_35 = arith.constant 0 : i32
        %dma_wait3A_36 = tpu.memref_slice %arg11[%scan3A_19, %dma_wait3A_35] : memref<80x128xi32, #tpu.memory_space<vmem>> -> memref<1x128xi32, #tpu.memory_space<vmem>>
        %dma_wait3A_37 = tpu.memref_squeeze %dma_wait3A_36 : memref<1x128xi32, #tpu.memory_space<vmem>> -> memref<128xi32, #tpu.memory_space<vmem>>
        %dma_wait3A_38 = arith.constant 0 : i32
        %dma_wait3A_39 = tpu.memref_slice %arg15[%dma_wait3A_38] : memref<10240xf32, #tpu.memory_space<vmem_shared>> -> memref<10240xf32, #tpu.memory_space<vmem_shared>>
        tpu.wait_indirect_dma semaphore(%run_scoped3A : memref<!tpu.dma_semaphore, #tpu.memory_space<semaphore_mem>>) src(%arg13 : memref<128xf32, #tpu.memory_space<vmem>>) dst(%dma_wait3A_39 : memref<10240xf32, #tpu.memory_space<vmem_shared>>)
        tpu.yield
      }) : () -> ()
    }
    %scan3A_17 = arith.constant 80 : i32
    %barrier3A_18 = arith.constant 0 : index
    tpu.barrier barrier_id(%barrier3A_18)
    "tpu.region"() ({
      %run_scoped3A = tpu.sem_alloc : memref<!tpu.dma_semaphore, #tpu.memory_space<semaphore_mem>>
      %dma_start3A = arith.constant 0 : i32
      %dma_start3A_19 = tpu.memref_slice %arg8[%arg0, %mul3A_2, %dma_start3A] : memref<2x10240x128xf32, #tpu.memory_space<hbm>> -> memref<1x640x128xf32, #tpu.memory_space<hbm>>
      %dma_start3A_20 = tpu.memref_squeeze %dma_start3A_19 : memref<1x640x128xf32, #tpu.memory_space<hbm>> -> memref<640x128xf32, #tpu.memory_space<hbm>>
      %dma_start3A_21 = arith.constant 0 : i32
      %dma_start3A_22 = tpu.memref_slice %arg14[%mul3A_2, %dma_start3A_21] : memref<10240x128xf32, #tpu.memory_space<vmem_shared>> -> memref<640x128xf32, #tpu.memory_space<vmem_shared>>
      tpu.enqueue_dma source(%dma_start3A_22 : memref<640x128xf32, #tpu.memory_space<vmem_shared>>) target(%dma_start3A_20 : memref<640x128xf32, #tpu.memory_space<hbm>>) target_semaphore(%run_scoped3A : memref<!tpu.dma_semaphore, #tpu.memory_space<semaphore_mem>>)
      %dma_wait3A = arith.constant 0 : i32
      %dma_wait3A_23 = tpu.memref_slice %arg8[%arg0, %mul3A_2, %dma_wait3A] : memref<2x10240x128xf32, #tpu.memory_space<hbm>> -> memref<1x640x128xf32, #tpu.memory_space<hbm>>
      %dma_wait3A_24 = tpu.memref_squeeze %dma_wait3A_23 : memref<1x640x128xf32, #tpu.memory_space<hbm>> -> memref<640x128xf32, #tpu.memory_space<hbm>>
      %dma_wait3A_25 = arith.constant 0 : i32
      %dma_wait3A_26 = tpu.memref_slice %arg14[%mul3A_2, %dma_wait3A_25] : memref<10240x128xf32, #tpu.memory_space<vmem_shared>> -> memref<640x128xf32, #tpu.memory_space<vmem_shared>>
      tpu.wait_dma2 semaphore(%run_scoped3A : memref<!tpu.dma_semaphore, #tpu.memory_space<semaphore_mem>>) src(%dma_wait3A_26 : memref<640x128xf32, #tpu.memory_space<vmem_shared>>) dst(%dma_wait3A_24 : memref<640x128xf32, #tpu.memory_space<hbm>>)
      tpu.yield
    }) : () -> ()
    "tpu.region"() ({
      %run_scoped3A = tpu.sem_alloc : memref<!tpu.dma_semaphore, #tpu.memory_space<semaphore_mem>>
      %dma_start3A = tpu.memref_slice %arg9[%arg0, %mul3A_2] : memref<2x10240xf32, #tpu.memory_space<hbm>> -> memref<1x640xf32, #tpu.memory_space<hbm>>
      %dma_start3A_19 = tpu.memref_squeeze %dma_start3A : memref<1x640xf32, #tpu.memory_space<hbm>> -> memref<640xf32, #tpu.memory_space<hbm>>
      %dma_start3A_20 = tpu.memref_slice %arg15[%mul3A_2] : memref<10240xf32, #tpu.memory_space<vmem_shared>> -> memref<640xf32, #tpu.memory_space<vmem_shared>>
      tpu.enqueue_dma source(%dma_start3A_20 : memref<640xf32, #tpu.memory_space<vmem_shared>>) target(%dma_start3A_19 : memref<640xf32, #tpu.memory_space<hbm>>) target_semaphore(%run_scoped3A : memref<!tpu.dma_semaphore, #tpu.memory_space<semaphore_mem>>)
      %dma_wait3A = tpu.memref_slice %arg9[%arg0, %mul3A_2] : memref<2x10240xf32, #tpu.memory_space<hbm>> -> memref<1x640xf32, #tpu.memory_space<hbm>>
      %dma_wait3A_21 = tpu.memref_squeeze %dma_wait3A : memref<1x640xf32, #tpu.memory_space<hbm>> -> memref<640xf32, #tpu.memory_space<hbm>>
      %dma_wait3A_22 = tpu.memref_slice %arg15[%mul3A_2] : memref<10240xf32, #tpu.memory_space<vmem_shared>> -> memref<640xf32, #tpu.memory_space<vmem_shared>>
      tpu.wait_dma2 semaphore(%run_scoped3A : memref<!tpu.dma_semaphore, #tpu.memory_space<semaphore_mem>>) src(%dma_wait3A_22 : memref<640xf32, #tpu.memory_space<vmem_shared>>) dst(%dma_wait3A_21 : memref<640xf32, #tpu.memory_space<hbm>>)
      tpu.yield
    }) : () -> ()
    return
  }
}

#map = affine_map<(d0, d1) -> (0, 0)>
#map1 = affine_map<(d0, d1) -> (0, 0, 0)>
#map2 = affine_map<(d0, d1) -> (0)>
module attributes {stable_mosaic.version = 14 : i64} {
  func.func @k(%arg0: i32, %arg1: i32, %arg2: memref<10000x128xf32, #tpu.memory_space<hbm>>, %arg3: memref<32x80x128xi32, #tpu.memory_space<hbm>>, %arg4: memref<32x80x128xi32, #tpu.memory_space<hbm>>, %arg5: memref<10240xf32, #tpu.memory_space<hbm>>, %arg6: memref<128x128xf32, #tpu.memory_space<hbm>>, %arg7: memref<128xf32, #tpu.memory_space<hbm>>, %arg8: memref<2x10240x128xf32, #tpu.memory_space<hbm>>, %arg9: memref<2x10240xf32, #tpu.memory_space<hbm>>, %arg10: memref<80x128xi32, #tpu.memory_space<vmem>>, %arg11: memref<80x128xi32, #tpu.memory_space<vmem>>, %arg12: memref<128x128xf32, #tpu.memory_space<vmem>>, %arg13: memref<128xf32, #tpu.memory_space<vmem>>, %arg14: memref<10240x128xf32, #tpu.memory_space<vmem_shared>>, %arg15: memref<10240xf32, #tpu.memory_space<vmem_shared>>, %arg16: memref<!tpu.dma_semaphore, #tpu.memory_space<semaphore_mem>>) attributes {dimension_semantics = [#tpu.dimension_semantics<core_parallel>, #tpu.dimension_semantics<subcore_parallel>], iteration_bounds = array<i64: 2, 16>, scalar_prefetch = 0 : i64, scratch_operands = 7 : i64, tpu.core_type = #tpu.core_type<sc_vector_subcore>, window_params = [{transform_indices = #map}, {transform_indices = #map1}, {transform_indices = #map1}, {transform_indices = #map2}, {transform_indices = #map}, {transform_indices = #map2}, {transform_indices = #map1}, {transform_indices = #map}]} {
    %mul3A = arith.constant 16 : i32
    %mul3A_0 = arith.muli %arg0, %mul3A : i32
    %add3A = arith.addi %mul3A_0, %arg1 : i32
    %mul3A_1 = arith.constant 640 : i32
    %mul3A_2 = arith.muli %arg1, %mul3A_1 : i32
    "tpu.region"() ({
      %run_scoped3A = tpu.sem_alloc : memref<!tpu.dma_semaphore, #tpu.memory_space<semaphore_mem>>
      tpu.enqueue_dma source(%arg6 : memref<128x128xf32, #tpu.memory_space<hbm>>) target(%arg12 : memref<128x128xf32, #tpu.memory_space<vmem>>) target_semaphore(%run_scoped3A : memref<!tpu.dma_semaphore, #tpu.memory_space<semaphore_mem>>)
      tpu.wait_dma2 semaphore(%run_scoped3A : memref<!tpu.dma_semaphore, #tpu.memory_space<semaphore_mem>>) src(%arg6 : memref<128x128xf32, #tpu.memory_space<hbm>>) dst(%arg12 : memref<128x128xf32, #tpu.memory_space<vmem>>)
      tpu.yield
    }) : () -> ()
    %add3A_3 = arith.constant 0 : i32
    %add3A_4 = arith.addi %mul3A_2, %add3A_3 : i32
    "tpu.region"() ({
      %run_scoped3A = tpu.sem_alloc : memref<!tpu.dma_semaphore, #tpu.memory_space<semaphore_mem>>
      %dma_start3A = arith.constant 0 : i32
      %dma_start3A_19 = tpu.memref_slice %arg14[%add3A_4, %dma_start3A] : memref<10240x128xf32, #tpu.memory_space<vmem_shared>> -> memref<128x128xf32, #tpu.memory_space<vmem_shared>>
      %dma_start3A_20 = arith.constant 0 : i32
      %dma_start3A_21 = tpu.memref_slice %arg14[%add3A_4, %dma_start3A_20] : memref<10240x128xf32, #tpu.memory_space<vmem_shared>> -> memref<128x128xf32, #tpu.memory_space<vmem_shared>>
      tpu.enqueue_dma source(%arg12 : memref<128x128xf32, #tpu.memory_space<vmem>>) target(%dma_start3A_21 : memref<128x128xf32, #tpu.memory_space<vmem_shared>>) target_semaphore(%run_scoped3A : memref<!tpu.dma_semaphore, #tpu.memory_space<semaphore_mem>>)
      %dma_wait3A = arith.constant 0 : i32
      %dma_wait3A_22 = tpu.memref_slice %arg14[%add3A_4, %dma_wait3A] : memref<10240x128xf32, #tpu.memory_space<vmem_shared>> -> memref<128x128xf32, #tpu.memory_space<vmem_shared>>
      %dma_wait3A_23 = arith.constant 0 : i32
      %dma_wait3A_24 = tpu.memref_slice %arg14[%add3A_4, %dma_wait3A_23] : memref<10240x128xf32, #tpu.memory_space<vmem_shared>> -> memref<128x128xf32, #tpu.memory_space<vmem_shared>>
      tpu.wait_dma2 semaphore(%run_scoped3A : memref<!tpu.dma_semaphore, #tpu.memory_space<semaphore_mem>>) src(%arg12 : memref<128x128xf32, #tpu.memory_space<vmem>>) dst(%dma_wait3A_24 : memref<128x128xf32, #tpu.memory_space<vmem_shared>>)
      tpu.yield
    }) : () -> ()
    %add3A_5 = arith.constant 128 : i32
    %add3A_6 = arith.addi %mul3A_2, %add3A_5 : i32
    "tpu.region"() ({
      %run_scoped3A = tpu.sem_alloc : memref<!tpu.dma_semaphore, #tpu.memory_space<semaphore_mem>>
      %dma_start3A = arith.constant 0 : i32
      %dma_start3A_19 = tpu.memref_slice %arg14[%add3A_6, %dma_start3A] : memref<10240x128xf32, #tpu.memory_space<vmem_shared>> -> memref<128x128xf32, #tpu.memory_space<vmem_shared>>
      %dma_start3A_20 = arith.constant 0 : i32
      %dma_start3A_21 = tpu.memref_slice %arg14[%add3A_6, %dma_start3A_20] : memref<10240x128xf32, #tpu.memory_space<vmem_shared>> -> memref<128x128xf32, #tpu.memory_space<vmem_shared>>
      tpu.enqueue_dma source(%arg12 : memref<128x128xf32, #tpu.memory_space<vmem>>) target(%dma_start3A_21 : memref<128x128xf32, #tpu.memory_space<vmem_shared>>) target_semaphore(%run_scoped3A : memref<!tpu.dma_semaphore, #tpu.memory_space<semaphore_mem>>)
      %dma_wait3A = arith.constant 0 : i32
      %dma_wait3A_22 = tpu.memref_slice %arg14[%add3A_6, %dma_wait3A] : memref<10240x128xf32, #tpu.memory_space<vmem_shared>> -> memref<128x128xf32, #tpu.memory_space<vmem_shared>>
      %dma_wait3A_23 = arith.constant 0 : i32
      %dma_wait3A_24 = tpu.memref_slice %arg14[%add3A_6, %dma_wait3A_23] : memref<10240x128xf32, #tpu.memory_space<vmem_shared>> -> memref<128x128xf32, #tpu.memory_space<vmem_shared>>
      tpu.wait_dma2 semaphore(%run_scoped3A : memref<!tpu.dma_semaphore, #tpu.memory_space<semaphore_mem>>) src(%arg12 : memref<128x128xf32, #tpu.memory_space<vmem>>) dst(%dma_wait3A_24 : memref<128x128xf32, #tpu.memory_space<vmem_shared>>)
      tpu.yield
    }) : () -> ()
    %add3A_7 = arith.constant 256 : i32
    %add3A_8 = arith.addi %mul3A_2, %add3A_7 : i32
    "tpu.region"() ({
      %run_scoped3A = tpu.sem_alloc : memref<!tpu.dma_semaphore, #tpu.memory_space<semaphore_mem>>
      %dma_start3A = arith.constant 0 : i32
      %dma_start3A_19 = tpu.memref_slice %arg14[%add3A_8, %dma_start3A] : memref<10240x128xf32, #tpu.memory_space<vmem_shared>> -> memref<128x128xf32, #tpu.memory_space<vmem_shared>>
      %dma_start3A_20 = arith.constant 0 : i32
      %dma_start3A_21 = tpu.memref_slice %arg14[%add3A_8, %dma_start3A_20] : memref<10240x128xf32, #tpu.memory_space<vmem_shared>> -> memref<128x128xf32, #tpu.memory_space<vmem_shared>>
      tpu.enqueue_dma source(%arg12 : memref<128x128xf32, #tpu.memory_space<vmem>>) target(%dma_start3A_21 : memref<128x128xf32, #tpu.memory_space<vmem_shared>>) target_semaphore(%run_scoped3A : memref<!tpu.dma_semaphore, #tpu.memory_space<semaphore_mem>>)
      %dma_wait3A = arith.constant 0 : i32
      %dma_wait3A_22 = tpu.memref_slice %arg14[%add3A_8, %dma_wait3A] : memref<10240x128xf32, #tpu.memory_space<vmem_shared>> -> memref<128x128xf32, #tpu.memory_space<vmem_shared>>
      %dma_wait3A_23 = arith.constant 0 : i32
      %dma_wait3A_24 = tpu.memref_slice %arg14[%add3A_8, %dma_wait3A_23] : memref<10240x128xf32, #tpu.memory_space<vmem_shared>> -> memref<128x128xf32, #tpu.memory_space<vmem_shared>>
      tpu.wait_dma2 semaphore(%run_scoped3A : memref<!tpu.dma_semaphore, #tpu.memory_space<semaphore_mem>>) src(%arg12 : memref<128x128xf32, #tpu.memory_space<vmem>>) dst(%dma_wait3A_24 : memref<128x128xf32, #tpu.memory_space<vmem_shared>>)
      tpu.yield
    }) : () -> ()
    %add3A_9 = arith.constant 384 : i32
    %add3A_10 = arith.addi %mul3A_2, %add3A_9 : i32
    "tpu.region"() ({
      %run_scoped3A = tpu.sem_alloc : memref<!tpu.dma_semaphore, #tpu.memory_space<semaphore_mem>>
      %dma_start3A = arith.constant 0 : i32
      %dma_start3A_19 = tpu.memref_slice %arg14[%add3A_10, %dma_start3A] : memref<10240x128xf32, #tpu.memory_space<vmem_shared>> -> memref<128x128xf32, #tpu.memory_space<vmem_shared>>
      %dma_start3A_20 = arith.constant 0 : i32
      %dma_start3A_21 = tpu.memref_slice %arg14[%add3A_10, %dma_start3A_20] : memref<10240x128xf32, #tpu.memory_space<vmem_shared>> -> memref<128x128xf32, #tpu.memory_space<vmem_shared>>
      tpu.enqueue_dma source(%arg12 : memref<128x128xf32, #tpu.memory_space<vmem>>) target(%dma_start3A_21 : memref<128x128xf32, #tpu.memory_space<vmem_shared>>) target_semaphore(%run_scoped3A : memref<!tpu.dma_semaphore, #tpu.memory_space<semaphore_mem>>)
      %dma_wait3A = arith.constant 0 : i32
      %dma_wait3A_22 = tpu.memref_slice %arg14[%add3A_10, %dma_wait3A] : memref<10240x128xf32, #tpu.memory_space<vmem_shared>> -> memref<128x128xf32, #tpu.memory_space<vmem_shared>>
      %dma_wait3A_23 = arith.constant 0 : i32
      %dma_wait3A_24 = tpu.memref_slice %arg14[%add3A_10, %dma_wait3A_23] : memref<10240x128xf32, #tpu.memory_space<vmem_shared>> -> memref<128x128xf32, #tpu.memory_space<vmem_shared>>
      tpu.wait_dma2 semaphore(%run_scoped3A : memref<!tpu.dma_semaphore, #tpu.memory_space<semaphore_mem>>) src(%arg12 : memref<128x128xf32, #tpu.memory_space<vmem>>) dst(%dma_wait3A_24 : memref<128x128xf32, #tpu.memory_space<vmem_shared>>)
      tpu.yield
    }) : () -> ()
    %add3A_11 = arith.constant 512 : i32
    %add3A_12 = arith.addi %mul3A_2, %add3A_11 : i32
    "tpu.region"() ({
      %run_scoped3A = tpu.sem_alloc : memref<!tpu.dma_semaphore, #tpu.memory_space<semaphore_mem>>
      %dma_start3A = arith.constant 0 : i32
      %dma_start3A_19 = tpu.memref_slice %arg14[%add3A_12, %dma_start3A] : memref<10240x128xf32, #tpu.memory_space<vmem_shared>> -> memref<128x128xf32, #tpu.memory_space<vmem_shared>>
      %dma_start3A_20 = arith.constant 0 : i32
      %dma_start3A_21 = tpu.memref_slice %arg14[%add3A_12, %dma_start3A_20] : memref<10240x128xf32, #tpu.memory_space<vmem_shared>> -> memref<128x128xf32, #tpu.memory_space<vmem_shared>>
      tpu.enqueue_dma source(%arg12 : memref<128x128xf32, #tpu.memory_space<vmem>>) target(%dma_start3A_21 : memref<128x128xf32, #tpu.memory_space<vmem_shared>>) target_semaphore(%run_scoped3A : memref<!tpu.dma_semaphore, #tpu.memory_space<semaphore_mem>>)
      %dma_wait3A = arith.constant 0 : i32
      %dma_wait3A_22 = tpu.memref_slice %arg14[%add3A_12, %dma_wait3A] : memref<10240x128xf32, #tpu.memory_space<vmem_shared>> -> memref<128x128xf32, #tpu.memory_space<vmem_shared>>
      %dma_wait3A_23 = arith.constant 0 : i32
      %dma_wait3A_24 = tpu.memref_slice %arg14[%add3A_12, %dma_wait3A_23] : memref<10240x128xf32, #tpu.memory_space<vmem_shared>> -> memref<128x128xf32, #tpu.memory_space<vmem_shared>>
      tpu.wait_dma2 semaphore(%run_scoped3A : memref<!tpu.dma_semaphore, #tpu.memory_space<semaphore_mem>>) src(%arg12 : memref<128x128xf32, #tpu.memory_space<vmem>>) dst(%dma_wait3A_24 : memref<128x128xf32, #tpu.memory_space<vmem_shared>>)
      tpu.yield
    }) : () -> ()
    "tpu.region"() ({
      %run_scoped3A = tpu.sem_alloc : memref<!tpu.dma_semaphore, #tpu.memory_space<semaphore_mem>>
      %dma_start3A = tpu.memref_slice %arg15[%mul3A_2] : memref<10240xf32, #tpu.memory_space<vmem_shared>> -> memref<640xf32, #tpu.memory_space<vmem_shared>>
      %dma_start3A_19 = tpu.memref_slice %arg5[%mul3A_2] : memref<10240xf32, #tpu.memory_space<hbm>> -> memref<640xf32, #tpu.memory_space<hbm>>
      tpu.enqueue_dma source(%dma_start3A_19 : memref<640xf32, #tpu.memory_space<hbm>>) target(%dma_start3A : memref<640xf32, #tpu.memory_space<vmem_shared>>) target_semaphore(%run_scoped3A : memref<!tpu.dma_semaphore, #tpu.memory_space<semaphore_mem>>)
      %dma_wait3A = tpu.memref_slice %arg15[%mul3A_2] : memref<10240xf32, #tpu.memory_space<vmem_shared>> -> memref<640xf32, #tpu.memory_space<vmem_shared>>
      %dma_wait3A_20 = tpu.memref_slice %arg5[%mul3A_2] : memref<10240xf32, #tpu.memory_space<hbm>> -> memref<640xf32, #tpu.memory_space<hbm>>
      tpu.wait_dma2 semaphore(%run_scoped3A : memref<!tpu.dma_semaphore, #tpu.memory_space<semaphore_mem>>) src(%dma_wait3A_20 : memref<640xf32, #tpu.memory_space<hbm>>) dst(%dma_wait3A : memref<640xf32, #tpu.memory_space<vmem_shared>>)
      tpu.yield
    }) : () -> ()
    "tpu.region"() ({
      %run_scoped3A = tpu.sem_alloc : memref<!tpu.dma_semaphore, #tpu.memory_space<semaphore_mem>>
      tpu.enqueue_dma source(%arg7 : memref<128xf32, #tpu.memory_space<hbm>>) target(%arg13 : memref<128xf32, #tpu.memory_space<vmem>>) target_semaphore(%run_scoped3A : memref<!tpu.dma_semaphore, #tpu.memory_space<semaphore_mem>>)
      tpu.wait_dma2 semaphore(%run_scoped3A : memref<!tpu.dma_semaphore, #tpu.memory_space<semaphore_mem>>) src(%arg7 : memref<128xf32, #tpu.memory_space<hbm>>) dst(%arg13 : memref<128xf32, #tpu.memory_space<vmem>>)
      tpu.yield
    }) : () -> ()
    "tpu.region"() ({
      %run_scoped3A = tpu.sem_alloc : memref<!tpu.dma_semaphore, #tpu.memory_space<semaphore_mem>>
      %dma_start3A = arith.constant 0 : i32
      %dma_start3A_19 = arith.constant 0 : i32
      %dma_start3A_20 = tpu.memref_slice %arg3[%add3A, %dma_start3A, %dma_start3A_19] : memref<32x80x128xi32, #tpu.memory_space<hbm>> -> memref<1x80x128xi32, #tpu.memory_space<hbm>>
      %dma_start3A_21 = tpu.memref_squeeze %dma_start3A_20 : memref<1x80x128xi32, #tpu.memory_space<hbm>> -> memref<80x128xi32, #tpu.memory_space<hbm>>
      %dma_start3A_22 = arith.constant 0 : i32
      %dma_start3A_23 = arith.constant 0 : i32
      %dma_start3A_24 = tpu.memref_slice %arg3[%add3A, %dma_start3A_22, %dma_start3A_23] : memref<32x80x128xi32, #tpu.memory_space<hbm>> -> memref<1x80x128xi32, #tpu.memory_space<hbm>>
      %dma_start3A_25 = tpu.memref_squeeze %dma_start3A_24 : memref<1x80x128xi32, #tpu.memory_space<hbm>> -> memref<80x128xi32, #tpu.memory_space<hbm>>
      tpu.enqueue_dma source(%dma_start3A_25 : memref<80x128xi32, #tpu.memory_space<hbm>>) target(%arg10 : memref<80x128xi32, #tpu.memory_space<vmem>>) target_semaphore(%run_scoped3A : memref<!tpu.dma_semaphore, #tpu.memory_space<semaphore_mem>>)
      %dma_wait3A = arith.constant 0 : i32
      %dma_wait3A_26 = arith.constant 0 : i32
      %dma_wait3A_27 = tpu.memref_slice %arg3[%add3A, %dma_wait3A, %dma_wait3A_26] : memref<32x80x128xi32, #tpu.memory_space<hbm>> -> memref<1x80x128xi32, #tpu.memory_space<hbm>>
      %dma_wait3A_28 = tpu.memref_squeeze %dma_wait3A_27 : memref<1x80x128xi32, #tpu.memory_space<hbm>> -> memref<80x128xi32, #tpu.memory_space<hbm>>
      %dma_wait3A_29 = arith.constant 0 : i32
      %dma_wait3A_30 = arith.constant 0 : i32
      %dma_wait3A_31 = tpu.memref_slice %arg3[%add3A, %dma_wait3A_29, %dma_wait3A_30] : memref<32x80x128xi32, #tpu.memory_space<hbm>> -> memref<1x80x128xi32, #tpu.memory_space<hbm>>
      %dma_wait3A_32 = tpu.memref_squeeze %dma_wait3A_31 : memref<1x80x128xi32, #tpu.memory_space<hbm>> -> memref<80x128xi32, #tpu.memory_space<hbm>>
      tpu.wait_dma2 semaphore(%run_scoped3A : memref<!tpu.dma_semaphore, #tpu.memory_space<semaphore_mem>>) src(%dma_wait3A_32 : memref<80x128xi32, #tpu.memory_space<hbm>>) dst(%arg10 : memref<80x128xi32, #tpu.memory_space<vmem>>)
      tpu.yield
    }) : () -> ()
    "tpu.region"() ({
      %run_scoped3A = tpu.sem_alloc : memref<!tpu.dma_semaphore, #tpu.memory_space<semaphore_mem>>
      %dma_start3A = arith.constant 0 : i32
      %dma_start3A_19 = arith.constant 0 : i32
      %dma_start3A_20 = tpu.memref_slice %arg4[%add3A, %dma_start3A, %dma_start3A_19] : memref<32x80x128xi32, #tpu.memory_space<hbm>> -> memref<1x80x128xi32, #tpu.memory_space<hbm>>
      %dma_start3A_21 = tpu.memref_squeeze %dma_start3A_20 : memref<1x80x128xi32, #tpu.memory_space<hbm>> -> memref<80x128xi32, #tpu.memory_space<hbm>>
      %dma_start3A_22 = arith.constant 0 : i32
      %dma_start3A_23 = arith.constant 0 : i32
      %dma_start3A_24 = tpu.memref_slice %arg4[%add3A, %dma_start3A_22, %dma_start3A_23] : memref<32x80x128xi32, #tpu.memory_space<hbm>> -> memref<1x80x128xi32, #tpu.memory_space<hbm>>
      %dma_start3A_25 = tpu.memref_squeeze %dma_start3A_24 : memref<1x80x128xi32, #tpu.memory_space<hbm>> -> memref<80x128xi32, #tpu.memory_space<hbm>>
      tpu.enqueue_dma source(%dma_start3A_25 : memref<80x128xi32, #tpu.memory_space<hbm>>) target(%arg11 : memref<80x128xi32, #tpu.memory_space<vmem>>) target_semaphore(%run_scoped3A : memref<!tpu.dma_semaphore, #tpu.memory_space<semaphore_mem>>)
      %dma_wait3A = arith.constant 0 : i32
      %dma_wait3A_26 = arith.constant 0 : i32
      %dma_wait3A_27 = tpu.memref_slice %arg4[%add3A, %dma_wait3A, %dma_wait3A_26] : memref<32x80x128xi32, #tpu.memory_space<hbm>> -> memref<1x80x128xi32, #tpu.memory_space<hbm>>
      %dma_wait3A_28 = tpu.memref_squeeze %dma_wait3A_27 : memref<1x80x128xi32, #tpu.memory_space<hbm>> -> memref<80x128xi32, #tpu.memory_space<hbm>>
      %dma_wait3A_29 = arith.constant 0 : i32
      %dma_wait3A_30 = arith.constant 0 : i32
      %dma_wait3A_31 = tpu.memref_slice %arg4[%add3A, %dma_wait3A_29, %dma_wait3A_30] : memref<32x80x128xi32, #tpu.memory_space<hbm>> -> memref<1x80x128xi32, #tpu.memory_space<hbm>>
      %dma_wait3A_32 = tpu.memref_squeeze %dma_wait3A_31 : memref<1x80x128xi32, #tpu.memory_space<hbm>> -> memref<80x128xi32, #tpu.memory_space<hbm>>
      tpu.wait_dma2 semaphore(%run_scoped3A : memref<!tpu.dma_semaphore, #tpu.memory_space<semaphore_mem>>) src(%dma_wait3A_32 : memref<80x128xi32, #tpu.memory_space<hbm>>) dst(%arg11 : memref<80x128xi32, #tpu.memory_space<vmem>>)
      tpu.yield
    }) : () -> ()
    %barrier3A = arith.constant 0 : index
    tpu.barrier barrier_id(%barrier3A)
    %scan3A = arith.constant 0 : i32
    %scan3A_13 = arith.constant 0 : i32
    %scan3A_14 = arith.constant 80 : i32
    %scan3A_15 = arith.addi %scan3A_13, %scan3A_14 : i32
    %scan3A_16 = arith.constant 1 : i32
    scf.for %scan3A_19 = %scan3A_13 to %scan3A_15 step %scan3A_16  : i32 {
      %dma_start3A = arith.constant 0 : i32
      %dma_start3A_20 = tpu.memref_slice %arg10[%scan3A_19, %dma_start3A] : memref<80x128xi32, #tpu.memory_space<vmem>> -> memref<1x128xi32, #tpu.memory_space<vmem>>
      %dma_start3A_21 = tpu.memref_squeeze %dma_start3A_20 : memref<1x128xi32, #tpu.memory_space<vmem>> -> memref<128xi32, #tpu.memory_space<vmem>>
      %dma_start3A_22 = arith.constant 0 : i32
      %dma_start3A_23 = arith.constant 0 : i32
      %dma_start3A_24 = tpu.memref_slice %arg2[%dma_start3A_22, %dma_start3A_23] : memref<10000x128xf32, #tpu.memory_space<hbm>> -> memref<10000x128xf32, #tpu.memory_space<hbm>>
      tpu.enqueue_indirect_dma source(%dma_start3A_24 : memref<10000x128xf32, #tpu.memory_space<hbm>>) target(%arg12 : memref<128x128xf32, #tpu.memory_space<vmem>>) offsets(%dma_start3A_21 : memref<128xi32, #tpu.memory_space<vmem>>) semaphore(%arg16 : memref<!tpu.dma_semaphore, #tpu.memory_space<semaphore_mem>>)
      %dma_wait3A = arith.constant 0 : i32
      %dma_wait3A_25 = tpu.memref_slice %arg10[%scan3A_19, %dma_wait3A] : memref<80x128xi32, #tpu.memory_space<vmem>> -> memref<1x128xi32, #tpu.memory_space<vmem>>
      %dma_wait3A_26 = tpu.memref_squeeze %dma_wait3A_25 : memref<1x128xi32, #tpu.memory_space<vmem>> -> memref<128xi32, #tpu.memory_space<vmem>>
      %dma_wait3A_27 = arith.constant 0 : i32
      %dma_wait3A_28 = arith.constant 0 : i32
      %dma_wait3A_29 = tpu.memref_slice %arg2[%dma_wait3A_27, %dma_wait3A_28] : memref<10000x128xf32, #tpu.memory_space<hbm>> -> memref<10000x128xf32, #tpu.memory_space<hbm>>
      tpu.wait_indirect_dma semaphore(%arg16 : memref<!tpu.dma_semaphore, #tpu.memory_space<semaphore_mem>>) src(%dma_wait3A_29 : memref<10000x128xf32, #tpu.memory_space<hbm>>) dst(%arg12 : memref<128x128xf32, #tpu.memory_space<vmem>>)
      "tpu.region"() ({
        %run_scoped3A = tpu.sem_alloc : memref<!tpu.dma_semaphore, #tpu.memory_space<semaphore_mem>>
        %dma_start3A_30 = arith.constant 0 : i32
        %dma_start3A_31 = tpu.memref_slice %arg11[%scan3A_19, %dma_start3A_30] : memref<80x128xi32, #tpu.memory_space<vmem>> -> memref<1x128xi32, #tpu.memory_space<vmem>>
        %dma_start3A_32 = tpu.memref_squeeze %dma_start3A_31 : memref<1x128xi32, #tpu.memory_space<vmem>> -> memref<128xi32, #tpu.memory_space<vmem>>
        %dma_start3A_33 = arith.constant 0 : i32
        %dma_start3A_34 = arith.constant 0 : i32
        %dma_start3A_35 = tpu.memref_slice %arg14[%dma_start3A_33, %dma_start3A_34] : memref<10240x128xf32, #tpu.memory_space<vmem_shared>> -> memref<10240x128xf32, #tpu.memory_space<vmem_shared>>
        tpu.enqueue_indirect_dma source(%arg12 : memref<128x128xf32, #tpu.memory_space<vmem>>) target(%dma_start3A_35 : memref<10240x128xf32, #tpu.memory_space<vmem_shared>>) offsets(%dma_start3A_32 : memref<128xi32, #tpu.memory_space<vmem>>) semaphore(%run_scoped3A : memref<!tpu.dma_semaphore, #tpu.memory_space<semaphore_mem>>) {add = true}
        %dma_wait3A_36 = arith.constant 0 : i32
        %dma_wait3A_37 = tpu.memref_slice %arg11[%scan3A_19, %dma_wait3A_36] : memref<80x128xi32, #tpu.memory_space<vmem>> -> memref<1x128xi32, #tpu.memory_space<vmem>>
        %dma_wait3A_38 = tpu.memref_squeeze %dma_wait3A_37 : memref<1x128xi32, #tpu.memory_space<vmem>> -> memref<128xi32, #tpu.memory_space<vmem>>
        %dma_wait3A_39 = arith.constant 0 : i32
        %dma_wait3A_40 = arith.constant 0 : i32
        %dma_wait3A_41 = tpu.memref_slice %arg14[%dma_wait3A_39, %dma_wait3A_40] : memref<10240x128xf32, #tpu.memory_space<vmem_shared>> -> memref<10240x128xf32, #tpu.memory_space<vmem_shared>>
        tpu.wait_indirect_dma semaphore(%run_scoped3A : memref<!tpu.dma_semaphore, #tpu.memory_space<semaphore_mem>>) src(%arg12 : memref<128x128xf32, #tpu.memory_space<vmem>>) dst(%dma_wait3A_41 : memref<10240x128xf32, #tpu.memory_space<vmem_shared>>)
        tpu.yield
      }) : () -> ()
      "tpu.region"() ({
        %run_scoped3A = tpu.sem_alloc : memref<!tpu.dma_semaphore, #tpu.memory_space<semaphore_mem>>
        %dma_start3A_30 = arith.constant 0 : i32
        %dma_start3A_31 = tpu.memref_slice %arg11[%scan3A_19, %dma_start3A_30] : memref<80x128xi32, #tpu.memory_space<vmem>> -> memref<1x128xi32, #tpu.memory_space<vmem>>
        %dma_start3A_32 = tpu.memref_squeeze %dma_start3A_31 : memref<1x128xi32, #tpu.memory_space<vmem>> -> memref<128xi32, #tpu.memory_space<vmem>>
        %dma_start3A_33 = arith.constant 0 : i32
        %dma_start3A_34 = tpu.memref_slice %arg15[%dma_start3A_33] : memref<10240xf32, #tpu.memory_space<vmem_shared>> -> memref<10240xf32, #tpu.memory_space<vmem_shared>>
        tpu.enqueue_indirect_dma source(%arg13 : memref<128xf32, #tpu.memory_space<vmem>>) target(%dma_start3A_34 : memref<10240xf32, #tpu.memory_space<vmem_shared>>) offsets(%dma_start3A_32 : memref<128xi32, #tpu.memory_space<vmem>>) semaphore(%run_scoped3A : memref<!tpu.dma_semaphore, #tpu.memory_space<semaphore_mem>>) {add = true}
        %dma_wait3A_35 = arith.constant 0 : i32
        %dma_wait3A_36 = tpu.memref_slice %arg11[%scan3A_19, %dma_wait3A_35] : memref<80x128xi32, #tpu.memory_space<vmem>> -> memref<1x128xi32, #tpu.memory_space<vmem>>
        %dma_wait3A_37 = tpu.memref_squeeze %dma_wait3A_36 : memref<1x128xi32, #tpu.memory_space<vmem>> -> memref<128xi32, #tpu.memory_space<vmem>>
        %dma_wait3A_38 = arith.constant 0 : i32
        %dma_wait3A_39 = tpu.memref_slice %arg15[%dma_wait3A_38] : memref<10240xf32, #tpu.memory_space<vmem_shared>> -> memref<10240xf32, #tpu.memory_space<vmem_shared>>
        tpu.wait_indirect_dma semaphore(%run_scoped3A : memref<!tpu.dma_semaphore, #tpu.memory_space<semaphore_mem>>) src(%arg13 : memref<128xf32, #tpu.memory_space<vmem>>) dst(%dma_wait3A_39 : memref<10240xf32, #tpu.memory_space<vmem_shared>>)
        tpu.yield
      }) : () -> ()
    }
    %scan3A_17 = arith.constant 80 : i32
    %barrier3A_18 = arith.constant 0 : index
    tpu.barrier barrier_id(%barrier3A_18)
    "tpu.region"() ({
      %run_scoped3A = tpu.sem_alloc : memref<!tpu.dma_semaphore, #tpu.memory_space<semaphore_mem>>
      %dma_start3A = arith.constant 0 : i32
      %dma_start3A_19 = tpu.memref_slice %arg8[%arg0, %mul3A_2, %dma_start3A] : memref<2x10240x128xf32, #tpu.memory_space<hbm>> -> memref<1x640x128xf32, #tpu.memory_space<hbm>>
      %dma_start3A_20 = tpu.memref_squeeze %dma_start3A_19 : memref<1x640x128xf32, #tpu.memory_space<hbm>> -> memref<640x128xf32, #tpu.memory_space<hbm>>
      %dma_start3A_21 = arith.constant 0 : i32
      %dma_start3A_22 = tpu.memref_slice %arg14[%mul3A_2, %dma_start3A_21] : memref<10240x128xf32, #tpu.memory_space<vmem_shared>> -> memref<640x128xf32, #tpu.memory_space<vmem_shared>>
      tpu.enqueue_dma source(%dma_start3A_22 : memref<640x128xf32, #tpu.memory_space<vmem_shared>>) target(%dma_start3A_20 : memref<640x128xf32, #tpu.memory_space<hbm>>) target_semaphore(%run_scoped3A : memref<!tpu.dma_semaphore, #tpu.memory_space<semaphore_mem>>)
      %dma_wait3A = arith.constant 0 : i32
      %dma_wait3A_23 = tpu.memref_slice %arg8[%arg0, %mul3A_2, %dma_wait3A] : memref<2x10240x128xf32, #tpu.memory_space<hbm>> -> memref<1x640x128xf32, #tpu.memory_space<hbm>>
      %dma_wait3A_24 = tpu.memref_squeeze %dma_wait3A_23 : memref<1x640x128xf32, #tpu.memory_space<hbm>> -> memref<640x128xf32, #tpu.memory_space<hbm>>
      %dma_wait3A_25 = arith.constant 0 : i32
      %dma_wait3A_26 = tpu.memref_slice %arg14[%mul3A_2, %dma_wait3A_25] : memref<10240x128xf32, #tpu.memory_space<vmem_shared>> -> memref<640x128xf32, #tpu.memory_space<vmem_shared>>
      tpu.wait_dma2 semaphore(%run_scoped3A : memref<!tpu.dma_semaphore, #tpu.memory_space<semaphore_mem>>) src(%dma_wait3A_26 : memref<640x128xf32, #tpu.memory_space<vmem_shared>>) dst(%dma_wait3A_24 : memref<640x128xf32, #tpu.memory_space<hbm>>)
      tpu.yield
    }) : () -> ()
    "tpu.region"() ({
      %run_scoped3A = tpu.sem_alloc : memref<!tpu.dma_semaphore, #tpu.memory_space<semaphore_mem>>
      %dma_start3A = tpu.memref_slice %arg9[%arg0, %mul3A_2] : memref<2x10240xf32, #tpu.memory_space<hbm>> -> memref<1x640xf32, #tpu.memory_space<hbm>>
      %dma_start3A_19 = tpu.memref_squeeze %dma_start3A : memref<1x640xf32, #tpu.memory_space<hbm>> -> memref<640xf32, #tpu.memory_space<hbm>>
      %dma_start3A_20 = tpu.memref_slice %arg15[%mul3A_2] : memref<10240xf32, #tpu.memory_space<vmem_shared>> -> memref<640xf32, #tpu.memory_space<vmem_shared>>
      tpu.enqueue_dma source(%dma_start3A_20 : memref<640xf32, #tpu.memory_space<vmem_shared>>) target(%dma_start3A_19 : memref<640xf32, #tpu.memory_space<hbm>>) target_semaphore(%run_scoped3A : memref<!tpu.dma_semaphore, #tpu.memory_space<semaphore_mem>>)
      %dma_wait3A = tpu.memref_slice %arg9[%arg0, %mul3A_2] : memref<2x10240xf32, #tpu.memory_space<hbm>> -> memref<1x640xf32, #tpu.memory_space<hbm>>
      %dma_wait3A_21 = tpu.memref_squeeze %dma_wait3A : memref<1x640xf32, #tpu.memory_space<hbm>> -> memref<640xf32, #tpu.memory_space<hbm>>
      %dma_wait3A_22 = tpu.memref_slice %arg15[%mul3A_2] : memref<10240xf32, #tpu.memory_space<vmem_shared>> -> memref<640xf32, #tpu.memory_space<vmem_shared>>
      tpu.wait_dma2 semaphore(%run_scoped3A : memref<!tpu.dma_semaphore, #tpu.memory_space<semaphore_mem>>) src(%dma_wait3A_22 : memref<640xf32, #tpu.memory_space<vmem_shared>>) dst(%dma_wait3A_21 : memref<640xf32, #tpu.memory_space<hbm>>)
      tpu.yield
    }) : () -> ()
    return
  }
}

module attributes {stable_mosaic.version = 14 : i64} {
  func.func @body(%arg0: memref<2x10000x128xf32, #tpu.memory_space<vmem>>, %arg1: memref<2x10000xf32, #tpu.memory_space<vmem>>, %arg2: memref<10000x128xf32, #tpu.memory_space<vmem>>, %arg3: memref<128x128xf32, #tpu.memory_space<vmem>>, %arg4: memref<128x128xf32, #tpu.memory_space<vmem>>, %arg5: memref<128xf32, #tpu.memory_space<vmem>>, %arg6: memref<10000x128xf32, #tpu.memory_space<vmem>>) attributes {dimension_semantics = [], scalar_prefetch = 0 : i64, scratch_operands = 0 : i64, tpu.core_type = #tpu.core_type<tc>} {
    %get3A = arith.constant 0 : index
    %get3A_0 = arith.constant 0 : index
    %get3A_1 = arith.constant 0 : index
    %get3A_2 = vector.load %arg0[%get3A, %get3A_0, %get3A_1] : memref<2x10000x128xf32, #tpu.memory_space<vmem>>, vector<1x10000x128xf32>
    %get3A_3 = vector.shape_cast %get3A_2 : vector<1x10000x128xf32> to vector<10000x128xf32>
    %get3A_4 = arith.constant 1 : index
    %get3A_5 = arith.constant 0 : index
    %get3A_6 = arith.constant 0 : index
    %get3A_7 = vector.load %arg0[%get3A_4, %get3A_5, %get3A_6] : memref<2x10000x128xf32, #tpu.memory_space<vmem>>, vector<1x10000x128xf32>
    %get3A_8 = vector.shape_cast %get3A_7 : vector<1x10000x128xf32> to vector<10000x128xf32>
    %add3A = arith.addf %get3A_3, %get3A_8 : vector<10000x128xf32>
    %get3A_9 = arith.constant 0 : index
    %get3A_10 = arith.constant 0 : index
    %get3A_11 = vector.load %arg1[%get3A_9, %get3A_10] : memref<2x10000xf32, #tpu.memory_space<vmem>>, vector<1x10000xf32>
    %get3A_12 = vector.shape_cast %get3A_11 : vector<1x10000xf32> to vector<10000xf32>
    %get3A_13 = arith.constant 1 : index
    %get3A_14 = arith.constant 0 : index
    %get3A_15 = vector.load %arg1[%get3A_13, %get3A_14] : memref<2x10000xf32, #tpu.memory_space<vmem>>, vector<1x10000xf32>
    %get3A_16 = vector.shape_cast %get3A_15 : vector<1x10000xf32> to vector<10000xf32>
    %add3A_17 = arith.addf %get3A_12, %get3A_16 : vector<10000xf32>
    %max3A = arith.constant 1.000000e+00 : f32
    %max3A_18 = vector.broadcast %max3A : f32 to vector<10000xf32>
    %max3A_19 = arith.maximumf %add3A_17, %max3A_18 : vector<10000xf32>
    %div3A = arith.constant 1.000000e+00 : f32
    %div3A_20 = vector.broadcast %div3A : f32 to vector<10000xf32>
    %div3A_21 = arith.divf %div3A_20, %max3A_19 : vector<10000xf32>
    %broadcast_in_dim3A = vector.shape_cast %div3A_21 : vector<10000xf32> to vector<10000x1xf32>
    %mul3A = vector.broadcast %broadcast_in_dim3A : vector<10000x1xf32> to vector<10000x128xf32>
    %mul3A_22 = arith.mulf %add3A, %mul3A : vector<10000x128xf32>
    %get3A_23 = arith.constant 0 : index
    %get3A_24 = arith.constant 0 : index
    %get3A_25 = vector.load %arg3[%get3A_23, %get3A_24] : memref<128x128xf32, #tpu.memory_space<vmem>>, vector<128x128xf32>
    %dot_general3A = arith.constant dense<0.000000e+00> : vector<10000x128xf32>
    %dot_general3A_26 = tpu.matmul %mul3A_22, %get3A_25, %dot_general3A {dimension_numbers = #tpu.dot_dimension_numbers<[1], [0], [0], [1], [0, 0, 1, 1], [], []>, transpose_lhs_hint = false} : vector<10000x128xf32>, vector<128x128xf32>, vector<10000x128xf32> -> vector<10000x128xf32>
    %get3A_27 = arith.constant 0 : index
    %get3A_28 = arith.constant 0 : index
    %get3A_29 = vector.load %arg2[%get3A_27, %get3A_28] : memref<10000x128xf32, #tpu.memory_space<vmem>>, vector<10000x128xf32>
    %get3A_30 = arith.constant 0 : index
    %get3A_31 = arith.constant 0 : index
    %get3A_32 = vector.load %arg4[%get3A_30, %get3A_31] : memref<128x128xf32, #tpu.memory_space<vmem>>, vector<128x128xf32>
    %dot_general3A_33 = arith.constant dense<0.000000e+00> : vector<10000x128xf32>
    %dot_general3A_34 = tpu.matmul %get3A_29, %get3A_32, %dot_general3A_33 {dimension_numbers = #tpu.dot_dimension_numbers<[1], [0], [0], [1], [0, 0, 1, 1], [], []>, transpose_lhs_hint = false} : vector<10000x128xf32>, vector<128x128xf32>, vector<10000x128xf32> -> vector<10000x128xf32>
    %add3A_35 = arith.addf %dot_general3A_26, %dot_general3A_34 : vector<10000x128xf32>
    %get3A_36 = arith.constant 0 : index
    %get3A_37 = vector.load %arg5[%get3A_36] : memref<128xf32, #tpu.memory_space<vmem>>, vector<128xf32>
    %broadcast_in_dim3A_38 = vector.shape_cast %get3A_37 : vector<128xf32> to vector<1x128xf32>
    %add3A_39 = vector.broadcast %broadcast_in_dim3A_38 : vector<1x128xf32> to vector<10000x128xf32>
    %add3A_40 = arith.addf %add3A_35, %add3A_39 : vector<10000x128xf32>
    %max3A_41 = arith.constant 0.000000e+00 : f32
    %max3A_42 = vector.broadcast %max3A_41 : f32 to vector<10000x128xf32>
    %max3A_43 = arith.maximumf %add3A_40, %max3A_42 : vector<10000x128xf32>
    %swap3A = arith.constant 0 : index
    %swap3A_44 = arith.constant 0 : index
    %swap3A_45 = vector.load %arg6[%swap3A, %swap3A_44] : memref<10000x128xf32, #tpu.memory_space<vmem>>, vector<10000x128xf32>
    tpu.vector_store %arg6[%swap3A, %swap3A_44], %max3A_43 {strides = array<i32>} : memref<10000x128xf32, #tpu.memory_space<vmem>>, vector<10000x128xf32>,
    return
  }
}

module attributes {stable_mosaic.version = 14 : i64} {
  func.func @body(%arg0: memref<2x10000x128xf32, #tpu.memory_space<vmem>>, %arg1: memref<2x10000xf32, #tpu.memory_space<vmem>>, %arg2: memref<10000x128xf32, #tpu.memory_space<vmem>>, %arg3: memref<128x128xf32, #tpu.memory_space<vmem>>, %arg4: memref<128x128xf32, #tpu.memory_space<vmem>>, %arg5: memref<128xf32, #tpu.memory_space<vmem>>, %arg6: memref<10000x128xf32, #tpu.memory_space<vmem>>) attributes {dimension_semantics = [], scalar_prefetch = 0 : i64, scratch_operands = 0 : i64, tpu.core_type = #tpu.core_type<tc>} {
    %get3A = arith.constant 0 : index
    %get3A_0 = arith.constant 0 : index
    %get3A_1 = arith.constant 0 : index
    %get3A_2 = vector.load %arg0[%get3A, %get3A_0, %get3A_1] : memref<2x10000x128xf32, #tpu.memory_space<vmem>>, vector<1x10000x128xf32>
    %get3A_3 = vector.shape_cast %get3A_2 : vector<1x10000x128xf32> to vector<10000x128xf32>
    %get3A_4 = arith.constant 1 : index
    %get3A_5 = arith.constant 0 : index
    %get3A_6 = arith.constant 0 : index
    %get3A_7 = vector.load %arg0[%get3A_4, %get3A_5, %get3A_6] : memref<2x10000x128xf32, #tpu.memory_space<vmem>>, vector<1x10000x128xf32>
    %get3A_8 = vector.shape_cast %get3A_7 : vector<1x10000x128xf32> to vector<10000x128xf32>
    %add3A = arith.addf %get3A_3, %get3A_8 : vector<10000x128xf32>
    %get3A_9 = arith.constant 0 : index
    %get3A_10 = arith.constant 0 : index
    %get3A_11 = vector.load %arg1[%get3A_9, %get3A_10] : memref<2x10000xf32, #tpu.memory_space<vmem>>, vector<1x10000xf32>
    %get3A_12 = vector.shape_cast %get3A_11 : vector<1x10000xf32> to vector<10000xf32>
    %get3A_13 = arith.constant 1 : index
    %get3A_14 = arith.constant 0 : index
    %get3A_15 = vector.load %arg1[%get3A_13, %get3A_14] : memref<2x10000xf32, #tpu.memory_space<vmem>>, vector<1x10000xf32>
    %get3A_16 = vector.shape_cast %get3A_15 : vector<1x10000xf32> to vector<10000xf32>
    %add3A_17 = arith.addf %get3A_12, %get3A_16 : vector<10000xf32>
    %max3A = arith.constant 1.000000e+00 : f32
    %max3A_18 = vector.broadcast %max3A : f32 to vector<10000xf32>
    %max3A_19 = arith.maximumf %add3A_17, %max3A_18 : vector<10000xf32>
    %div3A = arith.constant 1.000000e+00 : f32
    %div3A_20 = vector.broadcast %div3A : f32 to vector<10000xf32>
    %div3A_21 = arith.divf %div3A_20, %max3A_19 : vector<10000xf32>
    %broadcast_in_dim3A = vector.shape_cast %div3A_21 : vector<10000xf32> to vector<10000x1xf32>
    %mul3A = vector.broadcast %broadcast_in_dim3A : vector<10000x1xf32> to vector<10000x128xf32>
    %mul3A_22 = arith.mulf %add3A, %mul3A : vector<10000x128xf32>
    %get3A_23 = arith.constant 0 : index
    %get3A_24 = arith.constant 0 : index
    %get3A_25 = vector.load %arg3[%get3A_23, %get3A_24] : memref<128x128xf32, #tpu.memory_space<vmem>>, vector<128x128xf32>
    %dot_general3A = arith.constant dense<0.000000e+00> : vector<10000x128xf32>
    %dot_general3A_26 = tpu.matmul %mul3A_22, %get3A_25, %dot_general3A {dimension_numbers = #tpu.dot_dimension_numbers<[1], [0], [0], [1], [0, 0, 1, 1], [], []>, transpose_lhs_hint = false} : vector<10000x128xf32>, vector<128x128xf32>, vector<10000x128xf32> -> vector<10000x128xf32>
    %get3A_27 = arith.constant 0 : index
    %get3A_28 = arith.constant 0 : index
    %get3A_29 = vector.load %arg2[%get3A_27, %get3A_28] : memref<10000x128xf32, #tpu.memory_space<vmem>>, vector<10000x128xf32>
    %get3A_30 = arith.constant 0 : index
    %get3A_31 = arith.constant 0 : index
    %get3A_32 = vector.load %arg4[%get3A_30, %get3A_31] : memref<128x128xf32, #tpu.memory_space<vmem>>, vector<128x128xf32>
    %dot_general3A_33 = arith.constant dense<0.000000e+00> : vector<10000x128xf32>
    %dot_general3A_34 = tpu.matmul %get3A_29, %get3A_32, %dot_general3A_33 {dimension_numbers = #tpu.dot_dimension_numbers<[1], [0], [0], [1], [0, 0, 1, 1], [], []>, transpose_lhs_hint = false} : vector<10000x128xf32>, vector<128x128xf32>, vector<10000x128xf32> -> vector<10000x128xf32>
    %add3A_35 = arith.addf %dot_general3A_26, %dot_general3A_34 : vector<10000x128xf32>
    %get3A_36 = arith.constant 0 : index
    %get3A_37 = vector.load %arg5[%get3A_36] : memref<128xf32, #tpu.memory_space<vmem>>, vector<128xf32>
    %broadcast_in_dim3A_38 = vector.shape_cast %get3A_37 : vector<128xf32> to vector<1x128xf32>
    %add3A_39 = vector.broadcast %broadcast_in_dim3A_38 : vector<1x128xf32> to vector<10000x128xf32>
    %add3A_40 = arith.addf %add3A_35, %add3A_39 : vector<10000x128xf32>
    %swap3A = arith.constant 0 : index
    %swap3A_41 = arith.constant 0 : index
    %swap3A_42 = vector.load %arg6[%swap3A, %swap3A_41] : memref<10000x128xf32, #tpu.memory_space<vmem>>, vector<10000x128xf32>
    tpu.vector_store %arg6[%swap3A, %swap3A_41], %add3A_40 {strides = array<i32>} : memref<10000x128xf32, #tpu.memory_space<vmem>>, vector<10000x128xf32>,
    return
  }
}

</mosaic_0001>

<sc_bundles>
// kernel: kernel.6.cloned.1.call-start
scs
__scs_entry_jumppad:
0x0: {  	(pc) =	sbr.rel $0x88, $3  }
0x1: {  	(tag) =	ssettag $0x0;
	lr =	simm.s32 $0x1  }
0x2: {  	[smem:$0x3F99] =	sst lr;
	_ =	strace $0xD0000000  }
0x3: {  	_ = 	snop  }
0x4: {  	_ = 	snop  }
0x5: {  	_ = 	snop  }
0x6: {  	_ = 	snop  }
0x7: {  	_ = 	snop  }
__scs_overlays_trampoline_lowered:
0x8: {  	[smem:$0x3FA8] =	sst s0  }
0x9: {  	[smem:$0x3FA9] =	sst s1  }
0xa: {  	[smem:$0x3FAA] =	sst s2  }
0xb: {  	[smem:$0x3FAB] =	sst s3  }
0xc: {  	[smem:$0x3FAC] =	sst s4  }
0xd: {  	[smem:$0x3FAD] =	sst s5  }
0xe: {  	[smem:$0x3FAE] =	sst s6  }
0xf: {  	[smem:$0x3FAF] =	sst s7  }
0x10: {  	[smem:$0x3FB0] =	sst s8  }
0x11: {  	[smem:$0x3FB1] =	sst s9;
	s0 =	simm.s32 @!p0 $0x0  }
0x12: {  	s1 =	sld [smem:$0x3F97];
	s0 =	simm.s32 @p0 $0x1  }
0x13: {  	[smem:$0x3FB2] =	sst s0;
	s0 =	simm.s32 @!p1 $0x0  }
0x14: {  	s2 =	sld [smem:$0x3F96];
	s0 =	simm.s32 @p1 $0x1  }
0x15: {  	[smem:$0x3FB3] =	sst s0;
	s0 =	simm.s32 @!p2 $0x0  }
0x16: {  	s3 =	sld [smem:$0x3FDB];
	s0 =	simm.s32 @p2 $0x1  }
0x17: {  	s4 =	simm.s32 $0x1BF5;
	[smem:$0x3FB5] =	sst s0  }
0x18: {  	s0 =	sld [smem:$0x3F98];
	_ =	swait.ge [sflag:s4], $0x0  }
0x19: {  	s7 =	sld [smem:$0x3F99]  }
0x1a: {  	s8 =	sadd.s32 $0xFFFFE003, lr  }
0x1b: {  	s9 =	sadd.s32 $0xFFFFFEF7, lr;
	s5 =	simm.s32 $0xFFFFFFFF;
	p2 =	slt.u32 s8, $0xFFFFF086  }
0x1c: {  	p1 =	slt.u32 s9, $0xF7A;
	s5 =	simm.s32 @!p2 $0x0  }
0x1d: {  	s5 =	simm.s32 @p1 $0x1;
	p0 =	seq.s32 s7, s2  }
0x1e: {  	s7 =	smul.u32 @!p0 $0xF7A, s2;
	p2 =	seq.s32 @!p0 s5, $0x0  }
0x1f: {  	s9 =	smul.u32 $0xF7A, s1;
	s8 =	simm.s32 @!p0 $0x1BF5;
	p2 =	por !p2, p0  }
0x20: {  	[sflag:s8] =	ssyncset.s32 @!p0 $0xFFFFF086;
	s6 =	sadd.s32 @!p0 s3, s7;
	s7 =	simm.s32 @!p0 $0x108  }
0x21: {  	s3 =	sadd.s32 s3, s9;
	s6 =	sadd.s32 @!p0 $0x88, s6;
	s7 =	simm.s32 @p2 $0x1082  }
0x22: {  	[simem:s7], [sflag:s8] =	dma.local @!p0 [hbm:s6], $0xF7A  }
0x23: {  	s9 =	sor.u32 $0xD0000000, s2;
	s6 =	simm.s32 $0x108;
	_ =	swait.ge @!p0 [sflag:s8], $0x0  }
0x24: {  	s3 =	sadd.s32 $0x88, s3;
	s6 =	simm.s32 @!p1 $0x1082;
	[sflag:s4] =	ssyncset.s32 $0xFFFFF086  }
0x25: {  	[simem:s6], [sflag:s4] =	dma.local [hbm:s3], $0xF7A  }
0x26: {  	[smem:$0x3F99] =	sst s1;
	(tag) =	ssettag s2;
	_ =	strace s9  }
0x27: {  	s1 =	sld [smem:$0x3FA9]  }
0x28: {  	s2 =	sld [smem:$0x3FAA]  }
0x29: {  	s4 =	sld [smem:$0x3FAC]  }
0x2a: {  	p0 =	seq.s32 s5, $0x0;
	s5 =	sld [smem:$0x3FAD]  }
0x2b: {  	s6 =	sld [smem:$0x3FAE]  }
0x2c: {  	s7 =	sld [smem:$0x3FAF]  }
0x2d: {  	s3 =	simm.s32 $0x108;
	s8 =	sld [smem:$0x3FB0]  }
0x2e: {  	s3 =	simm.s32 @!p0 $0x1082;
	s9 =	sld [smem:$0x3FB1]  }
0x2f: {  	lr =	sadd.s32 s0, s3;
	s0 =	sld [smem:$0x3FA8]  }
0x30: {  	s3 =	sld [smem:$0x3FAB]  }
0x31: {  	[smem:$0x3FB4] =	sst s10  }
0x32: {  	s10 =	sld [smem:$0x3FB2];
	_ =	sdelay $0x3  }
0x33: {  	p0 =	seq.s32 s10, $0x1;
	s10 =	sld [smem:$0x3FB4];
	_ =	sdelay $0x3  }
0x34: {  	[smem:$0x3FB4] =	sst s10  }
0x35: {  	s10 =	sld [smem:$0x3FB3];
	_ =	sdelay $0x3  }
0x36: {  	p1 =	seq.s32 s10, $0x1;
	s10 =	sld [smem:$0x3FB4];
	_ =	sdelay $0x3  }
0x37: {  	[smem:$0x3FB4] =	sst s10  }
0x38: {  	s10 =	sld [smem:$0x3FB5]  }
0x39: {  	_ = 	snop;
	(pc) =	sbr.ind lr, $3  }
0x3a: {  	_ = 	snop  }
0x3b: {  	_ = 	snop  }
0x3c: {  	p2 =	seq.s32 s10, $0x1;
	s10 =	sld [smem:$0x3FB4]  }
0x3d: {  	_ =	shalt  }
0x3e: {  	_ =	shalt  }
0x3f: {  	_ =	shalt  }
0x40: {  	_ =	shalt  }
0x41: {  	_ =	shalt  }
0x42: {  	_ =	shalt  }
0x43: {  	_ =	shalt  }
0x44: {  	_ =	shalt  }
0x45: {  	_ =	shalt  }
0x46: {  	_ =	shalt  }
0x47: {  	_ =	shalt  }
0x48: {  	_ =	shalt  }
0x49: {  	_ =	shalt  }
0x4a: {  	_ =	shalt  }
0x4b: {  	_ =	shalt  }
0x4c: {  	_ =	shalt  }
0x4d: {  	_ =	shalt  }
0x4e: {  	_ =	shalt  }
0x4f: {  	_ =	shalt  }
0x50: {  	_ =	shalt  }
0x51: {  	_ =	shalt  }
0x52: {  	_ =	shalt  }
0x53: {  	_ =	shalt  }
0x54: {  	_ =	shalt  }
0x55: {  	_ =	shalt  }
0x56: {  	_ =	shalt  }
0x57: {  	_ =	shalt  }
0x58: {  	_ =	shalt  }
0x59: {  	_ =	shalt  }
0x5a: {  	_ =	shalt  }
0x5b: {  	_ =	shalt  }
0x5c: {  	_ =	shalt  }
0x5d: {  	_ =	shalt  }
0x5e: {  	_ =	shalt  }
0x5f: {  	_ =	shalt  }
0x60: {  	_ =	shalt  }
0x61: {  	_ =	shalt  }
0x62: {  	_ =	shalt  }
0x63: {  	_ =	shalt  }
0x64: {  	_ =	shalt  }
0x65: {  	_ =	shalt  }
0x66: {  	_ =	shalt  }
0x67: {  	_ =	shalt  }
0x68: {  	_ =	shalt  }
0x69: {  	_ =	shalt  }
0x6a: {  	_ =	shalt  }
0x6b: {  	_ =	shalt  }
0x6c: {  	_ =	shalt  }
0x6d: {  	_ =	shalt  }
0x6e: {  	_ =	shalt  }
0x6f: {  	_ =	shalt  }
0x70: {  	_ =	shalt  }
0x71: {  	_ =	shalt  }
0x72: {  	_ =	shalt  }
0x73: {  	_ =	shalt  }
0x74: {  	_ =	shalt  }
0x75: {  	_ =	shalt  }
0x76: {  	_ =	shalt  }
0x77: {  	_ =	shalt  }
0x78: {  	_ =	shalt  }
0x79: {  	_ =	shalt  }
0x7a: {  	_ =	shalt  }
0x7b: {  	_ =	shalt  }
0x7c: {  	_ =	shalt  }
0x7d: {  	_ =	shalt  }
0x7e: {  	_ =	shalt  }
0x7f: {  	_ =	shalt  }
0x80: {  	_ =	shalt  }
0x81: {  	_ =	shalt  }
0x82: {  	_ =	shalt  }
0x83: {  	_ =	shalt  }
0x84: {  	_ =	shalt  }
0x85: {  	_ =	shalt  }
0x86: {  	_ =	shalt  }
0x87: {  	_ =	shalt  }
.Lfunc_end0:
.L_simem_size_0:
called_computation_lowered:
.L_overlay_start_0:
0x88: {  	s2 =	sld [smem:$0x3FD9]  }
0x89: {  	s3 =	sld [smem:$0x3FFE];
	_ =	sdelay $0x1  }
0x8a: {  	s1 =	srdreg.scid  }
0x8b: {  	s0 =	sand.u32 $0x1, s1  }
0x8c: {  	s17 =	sshll.u32 s0, $0xA;
	s2 =	sadd.s32 s3, s2  }
0x8d: {  	s2 =	sadd.s32 s2, s17  }
0x8e: {  	[smem:$0x3FC0] =	sst s2  }
0x8f: {  	_ = 	snop  }
0x90: {  	s2 =	sld [smem:$0x3FC9]  }
0x91: {  	s18 =	sld [smem:$0x3FD0];
	(tm) =	ssettm $0x1  }
0x92: {  	s4 =	sld [smem:$0x3FFB];
	_ =	sdelay $0x3  }
0x93: {  	_ =	strace s4  }
0x94: {  	s4 =	sld [smem:$0x3FFC];
	_ =	sdelay $0x3  }
0x95: {  	_ =	strace s4  }
0x96: {  	s4 =	sld [smem:$0x3FFD];
	_ =	sdelay $0x3  }
0x97: {  	_ =	strace s4  }
0x98: {  	_ =	strace $0x8FFFFFFF  }
0x99: {  	s19 =	sld [smem:$0x3FDB];
	_ =	sdelay $0x1  }
0x9a: {  	s5 =	simm.s32 $_scs_section_size  }
0x9b: {  	s6 =	simm.s32 $_size__tile_overlayer_lowered;
	s7 =	simm.s32 $_tile_overlayer_lowered  }
0x9c: {  	s22 =	simm.s32 $0x1BFF;
	s21 =	sshll.u32 s7, $0x1;
	s4 =	sadd.s32 s5, s19  }
0x9d: {  	s8 =	simm.s32 $0x0;
	s20 =	sshll.u32 s6, $0x1;
	s6 =	sadd.s32 s21, s4  }
0x9e: {  	[timem:s8], [sflag:s22] =	dma.local [hbm:s6], s20  }
0x9f: {  	_ =	swait.ge [sflag:s22], s20  }
0xa0: {  	s5 =	ssub.s32 $0x0, s20;
	[sflag:s22] =	ssyncset.done $0x0  }
0xa1: {  	[sflag:s22] =	ssyncadd.s32 s5;
	_ =	sdelay $0x1  }
0xa2: {  	s23 =	simm.s32 $0x1B8B  }
0xa3: {  	_ =	swait.ge [sflag:s23], $0x1  }
0xa4: {  	[sflag:s23] =	ssyncset.done $0x0  }
0xa5: {  	s25 =	simm.s32 $0x1B8E;
	s24 =	sld [smem:$0x3FFE];
	[sflag:s23] =	ssyncadd.s32 $0xFFFFFFFF  }
0xa6: {  	s26 =	simm.s32 $execute0_lowered;
	[smem:$0x3FD2] =	sst s25  }
0xa7: {  	s6 =	sshll.u32 s26, $0x1;
	_ =	strace $0x80000046;
	[dreg:$0x1] =	wrdreg $0xFFFFFFFF  }
0xa8: {  	s28 =	simm.s32 $_size_execute0_lowered;
	s4 =	sadd.s32 s4, s6;
	[dreg:$0x0] =	wrdreg $0x0  }
0xa9: {  	s6 =	sshll.u32 s28, $0x1;
	[dreg:$0x2] =	wrdreg s4  }
0xaa: {  	[dreg:$0x3] =	wrdreg s6  }
0xab: {  	[dreg:$0x4] =	wrdreg $0xC0  }
0xac: {  	_ =	task [dreg:s8], $0x5FFFF  }
0xad: {  	[dreg:$0x1] =	wrdreg $0xFFFFFFFF  }
0xae: {  	[dreg:$0x0] =	wrdreg $0x60  }
0xaf: {  	[dreg:$0x2] =	wrdreg s2  }
0xb0: {  	[dreg:$0x3] =	wrdreg s24  }
0xb1: {  	[dreg:$0x4] =	wrdreg s18  }
0xb2: {  	[dreg:$0x5] =	wrdreg $0x90800  }
0xb3: {  	[dreg:$0x6] =	wrdreg $0x1D0800  }
0xb4: {  	[dreg:$0x7] =	wrdreg $0x9  }
0xb5: {  	_ =	task.clear_ibuf [dreg:s8], $0x8FFFF;
	_ =	strace $0x90000046  }
0xb6: {  	s29 =	simm.s32 $0x9;
	_ =	strace $0x80000048  }
0xb7: {  	_ =	swait.ge [sflag:s29], $0x1  }
0xb8: {  	[sflag:s29] =	ssyncadd.s32 $0xFFFFFFFF  }
0xb9: {  	_ =	strace $0x90000048  }
0xba: {  	_ =	sfence  }
0xbb: {  	s30 =	sld [smem:$0x0];
	_ =	sdelay $0x2  }
0xbc: {  	s31 =	sshll.u32 s1, $0xD;
	s1 =	sshrl.u32 s1, $0x2  }
0xbd: {  	s3 =	sand.u32 $0x4000, s31;
	s1 =	sadd.s32 s1, s30  }
0xbe: {  	s0 =	sor.u32 s3, s0;
	s1 =	sshll.u32 s1, $0x11  }
0xbf: {  	s0 =	sor.u32 s1, s0  }
0xc0: {  	s0 =	sadd.s32 $0x8F2B, s0  }
0xc1: {  	[sflag:s0] =	ssyncadd.remote.s32 $0x1  }
0xc2: {  	_ =	sfence.sel $0xFFFF  }
0xc3: {  	[dreg:$0x0] =	wrdreg $0xFFFFFFFF;
	(pc) =	sbr.abs _section_cstart, $3  }
0xc4: {  	[dreg:$0x1] =	wrdreg $0xFFFFFFFF  }
0xc5: {  	_ =	task.clear_ibuf [dreg:s8], $0x2FFFF;
	_ =	strace $0x9FFFFFFF  }
0xc6: {  	(tm) =	ssettm $0x7FFFFFFF  }
0xc7: {  	_ =	shalt  }
tec
execute0_lowered:
.L_overlay_start_1:
0x0: {  	(tag) =	ssettag $0x1  }
0x1: {  	s0 =	rddreg [dreg:$0x0]  }
0x2: {  	s2 =	rddreg [dreg:$0x1]  }
0x3: {  	s1 =	srdreg.scid;
	s17 =	rddreg [dreg:$0x2]  }
0x4: {  	s3 =	rddreg [dreg:$0x3];
	s23 =	stileid.u32  }
0x5: {  	s4 =	rddreg [dreg:$0x4];
	s28 =	simm.s32 $0x20;
	s14 =	smul.u32 $0x280, s23  }
0x6: {  	s29 =	simm.s32 $0x10;
	s30 =	simm.s32 $0x0;
	s9 =	smul.u32 $0x14000, s23  }
0x7: {  	s13 =	sand.u32 $0x1, s1;
	s10 =	smul.u32 $0x50000, s23;
	s7 =	sadd.s32 $0x16200, s2  }
0x8: {  	s19 =	smul.u32 $0x500, s23;
	s31 =	sshll.u32 s23, $0x6;
	s5 =	sshll.u32 s13, $0x4  }
0x9: {  	s8 =	smul.u32 $0x140000, s13;
	s25 =	ssub.s32 $0x2, s13;
	s20 =	sshll.u32 s13, $0x7  }
0xa: {  	s21 =	sor.u32 $0x1C02, s31;
	s6 =	sor.u32 s23, s5;
	s5 =	simm.s32 $0x0  }
0xb: {  	s24 =	sshrl.u32 s14, $0x3;
	s11 =	sshrl.u32 s25, $0x1;
	s10 =	sshrl.u32 s10, $0x2  }
0xc: {  	s22 =	sadd.s32 s14, s4;
	s26 =	sor.u32 s20, s19;
	s20 =	simm.s32 $0x2  }
0xd: {  	s23 =	simm.s32 $0x9000;
	s6 =	smul.u32 $0x500, s6;
	[smem:$0x7FF] =	sst s5  }
0xe: {  	s16 =	sadd.s32 s24, s2;
	s8 =	sadd.s32 s9, s8;
	s18 =	ssub.s32 s25, s11  }
0xf: {  	s19 =	sshrl.u32 s26, $0x3;
	s22 =	sshrl.u32 s22, $0x3;
	s25 =	simm.s32 $0x80  }
0x10: {  	s26 =	simm.s32 $0x1;
	_ =	strace $0x80000047;
	s8 =	sshrl.u32 s8, $0x3  }
0x11: {  	s13 =	sadd.s32 $0x16400, s16;
	s17 =	sadd.s32 s17, s19;
	s15 =	sadd.s32 s6, s2  }
0x12: {  	s6 =	sadd.s32 $0x16A00, s2;
	s2 =	sadd.s32 s8, s2;
	s8 =	sadd.s32 s10, s3  }
0x13: {  	s18 =	smax.u32 s18, $0x1;
	s19 =	simm.s32 $0x5000;
	s9 =	sadd.s32 $0x4000, s8  }
0x14: {  	s10 =	sadd.s32 $0x8000, s8;
	s11 =	sadd.s32 $0xC000, s8;
	s12 =	sadd.s32 $0x10000, s8  }
0x15: {  	s14 =	sadd.s32 $0xC200, s15;
	s15 =	sadd.s32 $0x2200, s15;
	s16 =	sadd.s32 $0x17200, s2  }
.LBB2_1:
0x16: {  	[tilespmem:s19], [sflag:$0x2] =	stream.linear.gather [hbm4b:s6+s5], $0x4000, $0x38;
	[tilespmem:$0x1D300] =	vst v63  }
0x17: {  	_ =	swait.ge [sflag:s20], $0x4000  }
0x18: {  	[sflag:s20] =	ssyncset.done $0x0  }
0x19: {  	[sflag:s20] =	ssyncadd.s32 $0xFFFFC000  }
0x1a: {  	[spmem:s8] =	stream.linear.scatter [tilespmem:s19], [sflag:$0x2], $0x4000, $0x38;
	[tilespmem:$0x1D300] =	vst v63  }
0x1b: {  	_ =	swait.ge [sflag:s20], $0x4000  }
0x1c: {  	[sflag:s20] =	ssyncset.done $0x0  }
0x1d: {  	[sflag:s20] =	ssyncadd.s32 $0xFFFFC000  }
0x1e: {  	[spmem:s9] =	stream.linear.scatter [tilespmem:s19], [sflag:$0x2], $0x4000, $0x38;
	[tilespmem:$0x1D300] =	vst v63  }
0x1f: {  	_ =	swait.ge [sflag:s20], $0x4000  }
0x20: {  	[sflag:s20] =	ssyncset.done $0x0  }
0x21: {  	[sflag:s20] =	ssyncadd.s32 $0xFFFFC000  }
0x22: {  	[spmem:s10] =	stream.linear.scatter [tilespmem:s19], [sflag:$0x2], $0x4000, $0x38;
	[tilespmem:$0x1D300] =	vst v63  }
0x23: {  	_ =	swait.ge [sflag:s20], $0x4000  }
0x24: {  	[sflag:s20] =	ssyncset.done $0x0  }
0x25: {  	[sflag:s20] =	ssyncadd.s32 $0xFFFFC000  }
0x26: {  	[spmem:s11] =	stream.linear.scatter [tilespmem:s19], [sflag:$0x2], $0x4000, $0x38;
	[tilespmem:$0x1D300] =	vst v63  }
0x27: {  	_ =	swait.ge [sflag:s20], $0x4000  }
0x28: {  	[sflag:s20] =	ssyncset.done $0x0  }
0x29: {  	[sflag:s20] =	ssyncadd.s32 $0xFFFFC000  }
0x2a: {  	[spmem:s12] =	stream.linear.scatter [tilespmem:s19], [sflag:$0x2], $0x4000, $0x38;
	[tilespmem:$0x1D300] =	vst v63  }
0x2b: {  	_ =	swait.ge [sflag:s20], $0x4000  }
0x2c: {  	[sflag:s20] =	ssyncset.done $0x0  }
0x2d: {  	[sflag:s20] =	ssyncadd.s32 $0xFFFFC000  }
0x2e: {  	[spmem:s22], [sflag:s21] =	dma.local [hbm:s13], $0x50  }
0x2f: {  	_ =	swait.ge [sflag:s20], $0x50  }
0x30: {  	[sflag:s20] =	ssyncset.done $0x0  }
0x31: {  	[sflag:s20] =	ssyncadd.s32 $0xFFFFFFB0  }
0x32: {  	[tilespmem:s23], [sflag:$0x2] =	stream.linear.gather [hbm4b:s7+s5], $0x80, $0x38;
	[tilespmem:$0x1D300] =	vst v63  }
0x33: {  	_ =	swait.ge [sflag:s20], $0x80  }
0x34: {  	[sflag:s20] =	ssyncset.done $0x0  }
0x35: {  	[sflag:s20] =	ssyncadd.s32 $0xFFFFFF80  }
0x36: {  	[tilespmem:s5], [sflag:$0x2] =	stream.linear.gather [hbm4b:s14+s5], $0x2800, $0x38;
	[tilespmem:$0x1D300] =	vst v63  }
0x37: {  	_ =	swait.ge [sflag:s20], $0x2800  }
0x38: {  	[sflag:s20] =	ssyncset.done $0x0  }
0x39: {  	s1 =	simm.s32 $0x2800;
	[sflag:s20] =	ssyncadd.s32 $0xFFFFD800  }
0x3a: {  	[tilespmem:s1], [sflag:$0x2] =	stream.linear.gather [hbm4b:s15+s5], $0x2800, $0x38;
	[tilespmem:$0x1D300] =	vst v63  }
0x3b: {  	_ =	swait.ge [sflag:s20], $0x2800  }
0x3c: {  	[sflag:s20] =	ssyncset.done $0x0  }
0x3d: {  	[sflag:s20] =	ssyncadd.s32 $0xFFFFD800  }
0x3e: {  	s2 =	simm.s32 $0x0;
	[bflag:$0x0] =	sbarrier.arrive $0xFFFF  }
0x3f: {  	[tilespmem:s19], [sflag:$0x1] =	stream.indirect.gather [hbm4b:s0+s25], $0x80, s2, s25, $0xb8;
	[tilespmem:$0x1D300] =	vst v63  }
0x40: {  	_ =	swait.ge [sflag:s26], $0x4000  }
0x41: {  	[sflag:s26] =	ssyncset.done $0x0  }
0x42: {  	s24 =	simm.s32 $0x2800;
	[sflag:s26] =	ssyncadd.s32 $0xFFFFC000  }
0x43: {  	[spmem:s3] =	stream.indirect.scatter.add.f32 [tilespmem:s19], [sflag:$0x2], $0x80, s24, s25, $0xb8;
	[tilespmem:$0x1D300] =	vst v63  }
0x44: {  	_ =	swait.ge [sflag:s20], $0x4000  }
0x45: {  	[sflag:s20] =	ssyncset.done $0x0  }
0x46: {  	[sflag:s20] =	ssyncadd.s32 $0xFFFFC000  }
0x47: {  	[spmem:s4] =	stream.indirect.scatter.add.f32 [tilespmem:s23], [sflag:$0x2], $0x1, s24, s25, $0xb8;
	[tilespmem:$0x1D300] =	vst v63  }
0x48: {  	_ =	swait.ge [sflag:s20], $0x80  }
0x49: {  	s31 =	simm.s32 $0x200;
	s2 =	simm.s32 $0x400;
	[sflag:s20] =	ssyncset.done $0x0  }
.LBB2_2:
0x4a: {  	s1 =	sshra.s32 s31, $0x2  }
0x4b: {  	[sflag:s20] =	ssyncadd.s32 $0xFFFFFF80;
	s31 =	smov.u32 s2;
	s24 =	sadd.s32 $0x200, s2  }
0x4c: {  	[tilespmem:s19], [sflag:$0x1] =	stream.indirect.gather [hbm4b:s0+s25], $0x80, s1, s25, $0xb8;
	[tilespmem:$0x1D300] =	vst v63  }
0x4d: {  	p0 =	sne.s32 s2, $0x9E00;
	_ =	swait.ge [sflag:s26], $0x4000  }
0x4e: {  	[sflag:s26] =	ssyncset.done $0x0  }
0x4f: {  	s1 =	sadd.s32 $0x2800, s1;
	[sflag:s26] =	ssyncadd.s32 $0xFFFFC000  }
0x50: {  	[spmem:s3] =	stream.indirect.scatter.add.f32 [tilespmem:s19], [sflag:$0x2], $0x80, s1, s25, $0xb8;
	[tilespmem:$0x1D300] =	vst v63  }
0x51: {  	_ =	swait.ge [sflag:s20], $0x4000  }
.Ltmp0:
0x52: {  	[sflag:s20] =	ssyncset.done $0x0;
	(pc) =	sbr.rel @p0 .LBB2_2-.Ltmp0, $4  }
0x53: {  	[sflag:s20] =	ssyncadd.s32 $0xFFFFC000  }
0x54: {  	[spmem:s4] =	stream.indirect.scatter.add.f32 [tilespmem:s23], [sflag:$0x2], $0x1, s1, s25, $0xb8;
	[tilespmem:$0x1D300] =	vst v63  }
0x55: {  	_ =	swait.ge [sflag:s20], $0x80  }
0x56: {  	s2 =	smov.u32 s24;
	[sflag:s20] =	ssyncset.done $0x0  }
0x57: {  	s1 =	sshra.s32 s31, $0x2;
	[sflag:s20] =	ssyncadd.s32 $0xFFFFFF80  }
0x58: {  	[tilespmem:s19], [sflag:$0x1] =	stream.indirect.gather [hbm4b:s0+s25], $0x80, s1, s25, $0xb8;
	[tilespmem:$0x1D300] =	vst v63  }
0x59: {  	_ =	swait.ge [sflag:s26], $0x4000  }
0x5a: {  	[sflag:s26] =	ssyncset.done $0x0  }
0x5b: {  	s1 =	sadd.s32 $0x2800, s1;
	[sflag:s26] =	ssyncadd.s32 $0xFFFFC000  }
0x5c: {  	[spmem:s3] =	stream.indirect.scatter.add.f32 [tilespmem:s19], [sflag:$0x2], $0x80, s1, s25, $0xb8;
	[tilespmem:$0x1D300] =	vst v63  }
0x5d: {  	_ =	swait.ge [sflag:s20], $0x4000  }
0x5e: {  	[sflag:s20] =	ssyncset.done $0x0  }
0x5f: {  	[sflag:s20] =	ssyncadd.s32 $0xFFFFC000  }
0x60: {  	[spmem:s4] =	stream.indirect.scatter.add.f32 [tilespmem:s23], [sflag:$0x2], $0x1, s1, s25, $0xb8;
	[tilespmem:$0x1D300] =	vst v63  }
0x61: {  	_ =	swait.ge [sflag:s20], $0x80  }
0x62: {  	[sflag:s20] =	ssyncset.done $0x0  }
0x63: {  	[sflag:s20] =	ssyncadd.s32 $0xFFFFFF80  }
0x64: {  	s31 =	sshrl.u32 s8, $0x3;
	[bflag:$0x0] =	sbarrier.arrive $0xFFFF  }
0x65: {  	[hbm:s16], [sflag:s21] =	dma.local [spmem:s31], $0x2800  }
0x66: {  	s30 =	sadd.s32 $0x1, s30;
	_ =	swait.ge [sflag:s20], $0x2800  }
0x67: {  	p0 =	sne.s32 s30, s18;
	[sflag:s20] =	ssyncset.done $0x0  }
.Ltmp1:
0x68: {  	[sflag:s20] =	ssyncadd.s32 $0xFFFFD800;
	(pc) =	sbr.rel @p0 .LBB2_1-.Ltmp1, $4  }
0x69: {  	[hbm:s17@s28], [sflag:s21] =	dma.strided [spmem:s22@s29], $0x50, s26, $0x10   }
0x6a: {  	_ =	swait.ge [sflag:s20], $0x50  }
0x6b: {  	[sflag:s20] =	ssyncset.done $0x0  }
0x6c: {  	[sflag:s20] =	ssyncadd.s32 $0xFFFFFFB0  }
0x6d: {  	_ =	sfence.sel $0x180000  }
0x6e: {  	[bflag:$0x0] =	sbarrier.arrive $0xFFFF  }
0x6f: {  	_ =	strace $0x90000047  }
0x70: {  	s0 =	stileid.u32;
	[bflag:$0x2] =	sbarrier.arrive $0xFFFF  }
0x71: {  	p0 =	sne.s32 s0, $0x0;
	s0 =	rddreg [dreg:$0x5]  }
0x72: {  	s0 =	sadd.s32 @!p0 $0x100000, s0  }
0x73: {  	[sflag:s0] =	ssyncadd.tile.s32 @!p0 $0x1;
	_ =	shalt  }
.Lfunc_end2:
_tile_overlayer_lowered:
.L_overlay_start_2:
0x74: {  	(tag) =	ssettag $0x2  }
0x75: {  	s0 =	rddreg [dreg:$0x0];
	s2 =	stileid.u32  }
0x76: {  	s1 =	rddreg [dreg:$0x1];
	p0 =	sne.s32 s2, $0x0  }
0x77: {  	s3 =	rddreg [dreg:$0x2];
	[bflag:$0x3] =	sbarrier.arrive $0xFFFF;
	s2 =	simm.s32 @!p0 $0x1C02  }
0x78: {  	[timem:s3], [sflag:s2] =	dma.local @!p0 [hbm:s0], s1  }
0x79: {  	s0 =	simm.s32 @!p0 $0x2  }
0x7a: {  	_ =	swait.ge @!p0 [sflag:s0], s1  }
0x7b: {  	s1 =	ssub.s32 @!p0 $0x0, s1;
	[sflag:s0] =	ssyncset.done @!p0 $0x0  }
0x7c: {  	[sflag:s0] =	ssyncadd.s32 @!p0 s1  }
0x7d: {  	[bflag:$0x3] =	sbarrier.arrive $0xFFFF  }
0x7e: {  	_ =	shalt  }

// kernel: kernel.9.cloned.1.call-start
scs
__scs_entry_jumppad:
0x0: {  	(pc) =	sbr.rel $0x88, $3  }
0x1: {  	(tag) =	ssettag $0x0;
	lr =	simm.s32 $0x1  }
0x2: {  	[smem:$0x3F99] =	sst lr;
	_ =	strace $0xD0000000  }
0x3: {  	_ = 	snop  }
0x4: {  	_ = 	snop  }
0x5: {  	_ = 	snop  }
0x6: {  	_ = 	snop  }
0x7: {  	_ = 	snop  }
__scs_overlays_trampoline_lowered:
0x8: {  	[smem:$0x3FA8] =	sst s0  }
0x9: {  	[smem:$0x3FA9] =	sst s1  }
0xa: {  	[smem:$0x3FAA] =	sst s2  }
0xb: {  	[smem:$0x3FAB] =	sst s3  }
0xc: {  	[smem:$0x3FAC] =	sst s4  }
0xd: {  	[smem:$0x3FAD] =	sst s5  }
0xe: {  	[smem:$0x3FAE] =	sst s6  }
0xf: {  	[smem:$0x3FAF] =	sst s7  }
0x10: {  	[smem:$0x3FB0] =	sst s8  }
0x11: {  	[smem:$0x3FB1] =	sst s9;
	s0 =	simm.s32 @!p0 $0x0  }
0x12: {  	s1 =	sld [smem:$0x3F97];
	s0 =	simm.s32 @p0 $0x1  }
0x13: {  	[smem:$0x3FB2] =	sst s0;
	s0 =	simm.s32 @!p1 $0x0  }
0x14: {  	s2 =	sld [smem:$0x3F96];
	s0 =	simm.s32 @p1 $0x1  }
0x15: {  	[smem:$0x3FB3] =	sst s0;
	s0 =	simm.s32 @!p2 $0x0  }
0x16: {  	s3 =	sld [smem:$0x3FDB];
	s0 =	simm.s32 @p2 $0x1  }
0x17: {  	s4 =	simm.s32 $0x1BF5;
	[smem:$0x3FB5] =	sst s0  }
0x18: {  	s0 =	sld [smem:$0x3F98];
	_ =	swait.ge [sflag:s4], $0x0  }
0x19: {  	s7 =	sld [smem:$0x3F99]  }
0x1a: {  	s8 =	sadd.s32 $0xFFFFE003, lr  }
0x1b: {  	s9 =	sadd.s32 $0xFFFFFEF7, lr;
	s5 =	simm.s32 $0xFFFFFFFF;
	p2 =	slt.u32 s8, $0xFFFFF086  }
0x1c: {  	p1 =	slt.u32 s9, $0xF7A;
	s5 =	simm.s32 @!p2 $0x0  }
0x1d: {  	s5 =	simm.s32 @p1 $0x1;
	p0 =	seq.s32 s7, s2  }
0x1e: {  	s7 =	smul.u32 @!p0 $0xF7A, s2;
	p2 =	seq.s32 @!p0 s5, $0x0  }
0x1f: {  	s9 =	smul.u32 $0xF7A, s1;
	s8 =	simm.s32 @!p0 $0x1BF5;
	p2 =	por !p2, p0  }
0x20: {  	[sflag:s8] =	ssyncset.s32 @!p0 $0xFFFFF086;
	s6 =	sadd.s32 @!p0 s3, s7;
	s7 =	simm.s32 @!p0 $0x108  }
0x21: {  	s3 =	sadd.s32 s3, s9;
	s6 =	sadd.s32 @!p0 $0x88, s6;
	s7 =	simm.s32 @p2 $0x1082  }
0x22: {  	[simem:s7], [sflag:s8] =	dma.local @!p0 [hbm:s6], $0xF7A  }
0x23: {  	s9 =	sor.u32 $0xD0000000, s2;
	s6 =	simm.s32 $0x108;
	_ =	swait.ge @!p0 [sflag:s8], $0x0  }
0x24: {  	s3 =	sadd.s32 $0x88, s3;
	s6 =	simm.s32 @!p1 $0x1082;
	[sflag:s4] =	ssyncset.s32 $0xFFFFF086  }
0x25: {  	[simem:s6], [sflag:s4] =	dma.local [hbm:s3], $0xF7A  }
0x26: {  	[smem:$0x3F99] =	sst s1;
	(tag) =	ssettag s2;
	_ =	strace s9  }
0x27: {  	s1 =	sld [smem:$0x3FA9]  }
0x28: {  	s2 =	sld [smem:$0x3FAA]  }
0x29: {  	s4 =	sld [smem:$0x3FAC]  }
0x2a: {  	p0 =	seq.s32 s5, $0x0;
	s5 =	sld [smem:$0x3FAD]  }
0x2b: {  	s6 =	sld [smem:$0x3FAE]  }
0x2c: {  	s7 =	sld [smem:$0x3FAF]  }
0x2d: {  	s3 =	simm.s32 $0x108;
	s8 =	sld [smem:$0x3FB0]  }
0x2e: {  	s3 =	simm.s32 @!p0 $0x1082;
	s9 =	sld [smem:$0x3FB1]  }
0x2f: {  	lr =	sadd.s32 s0, s3;
	s0 =	sld [smem:$0x3FA8]  }
0x30: {  	s3 =	sld [smem:$0x3FAB]  }
0x31: {  	[smem:$0x3FB4] =	sst s10  }
0x32: {  	s10 =	sld [smem:$0x3FB2];
	_ =	sdelay $0x3  }
0x33: {  	p0 =	seq.s32 s10, $0x1;
	s10 =	sld [smem:$0x3FB4];
	_ =	sdelay $0x3  }
0x34: {  	[smem:$0x3FB4] =	sst s10  }
0x35: {  	s10 =	sld [smem:$0x3FB3];
	_ =	sdelay $0x3  }
0x36: {  	p1 =	seq.s32 s10, $0x1;
	s10 =	sld [smem:$0x3FB4];
	_ =	sdelay $0x3  }
0x37: {  	[smem:$0x3FB4] =	sst s10  }
0x38: {  	s10 =	sld [smem:$0x3FB5]  }
0x39: {  	_ = 	snop;
	(pc) =	sbr.ind lr, $3  }
0x3a: {  	_ = 	snop  }
0x3b: {  	_ = 	snop  }
0x3c: {  	p2 =	seq.s32 s10, $0x1;
	s10 =	sld [smem:$0x3FB4]  }
0x3d: {  	_ =	shalt  }
0x3e: {  	_ =	shalt  }
0x3f: {  	_ =	shalt  }
0x40: {  	_ =	shalt  }
0x41: {  	_ =	shalt  }
0x42: {  	_ =	shalt  }
0x43: {  	_ =	shalt  }
0x44: {  	_ =	shalt  }
0x45: {  	_ =	shalt  }
0x46: {  	_ =	shalt  }
0x47: {  	_ =	shalt  }
0x48: {  	_ =	shalt  }
0x49: {  	_ =	shalt  }
0x4a: {  	_ =	shalt  }
0x4b: {  	_ =	shalt  }
0x4c: {  	_ =	shalt  }
0x4d: {  	_ =	shalt  }
0x4e: {  	_ =	shalt  }
0x4f: {  	_ =	shalt  }
0x50: {  	_ =	shalt  }
0x51: {  	_ =	shalt  }
0x52: {  	_ =	shalt  }
0x53: {  	_ =	shalt  }
0x54: {  	_ =	shalt  }
0x55: {  	_ =	shalt  }
0x56: {  	_ =	shalt  }
0x57: {  	_ =	shalt  }
0x58: {  	_ =	shalt  }
0x59: {  	_ =	shalt  }
0x5a: {  	_ =	shalt  }
0x5b: {  	_ =	shalt  }
0x5c: {  	_ =	shalt  }
0x5d: {  	_ =	shalt  }
0x5e: {  	_ =	shalt  }
0x5f: {  	_ =	shalt  }
0x60: {  	_ =	shalt  }
0x61: {  	_ =	shalt  }
0x62: {  	_ =	shalt  }
0x63: {  	_ =	shalt  }
0x64: {  	_ =	shalt  }
0x65: {  	_ =	shalt  }
0x66: {  	_ =	shalt  }
0x67: {  	_ =	shalt  }
0x68: {  	_ =	shalt  }
0x69: {  	_ =	shalt  }
0x6a: {  	_ =	shalt  }
0x6b: {  	_ =	shalt  }
0x6c: {  	_ =	shalt  }
0x6d: {  	_ =	shalt  }
0x6e: {  	_ =	shalt  }
0x6f: {  	_ =	shalt  }
0x70: {  	_ =	shalt  }
0x71: {  	_ =	shalt  }
0x72: {  	_ =	shalt  }
0x73: {  	_ =	shalt  }
0x74: {  	_ =	shalt  }
0x75: {  	_ =	shalt  }
0x76: {  	_ =	shalt  }
0x77: {  	_ =	shalt  }
0x78: {  	_ =	shalt  }
0x79: {  	_ =	shalt  }
0x7a: {  	_ =	shalt  }
0x7b: {  	_ =	shalt  }
0x7c: {  	_ =	shalt  }
0x7d: {  	_ =	shalt  }
0x7e: {  	_ =	shalt  }
0x7f: {  	_ =	shalt  }
0x80: {  	_ =	shalt  }
0x81: {  	_ =	shalt  }
0x82: {  	_ =	shalt  }
0x83: {  	_ =	shalt  }
0x84: {  	_ =	shalt  }
0x85: {  	_ =	shalt  }
0x86: {  	_ =	shalt  }
0x87: {  	_ =	shalt  }
.Lfunc_end0:
.L_simem_size_0:
called_computation.1_lowered:
.L_overlay_start_0:
0x88: {  	s2 =	sld [smem:$0x3FD9]  }
0x89: {  	s3 =	sld [smem:$0x3FFE];
	_ =	sdelay $0x1  }
0x8a: {  	s1 =	srdreg.scid  }
0x8b: {  	s0 =	sand.u32 $0x1, s1  }
0x8c: {  	s17 =	sshll.u32 s0, $0xA;
	s2 =	sadd.s32 s3, s2  }
0x8d: {  	s2 =	sadd.s32 s2, s17  }
0x8e: {  	[smem:$0x3FC0] =	sst s2  }
0x8f: {  	_ = 	snop  }
0x90: {  	s2 =	sld [smem:$0x3FD0];
	(tm) =	ssettm $0x1  }
0x91: {  	s18 =	sld [smem:$0x3FFB];
	_ =	sdelay $0x3  }
0x92: {  	_ =	strace s18  }
0x93: {  	s3 =	sld [smem:$0x3FFC];
	_ =	sdelay $0x3  }
0x94: {  	_ =	strace s3  }
0x95: {  	s3 =	sld [smem:$0x3FFD];
	_ =	sdelay $0x3  }
0x96: {  	_ =	strace s3  }
0x97: {  	_ =	strace $0x8FFFFFFF  }
0x98: {  	s19 =	sld [smem:$0x3FDB];
	_ =	sdelay $0x1  }
0x99: {  	s4 =	simm.s32 $_scs_section_size  }
0x9a: {  	s5 =	simm.s32 $_size__tile_overlayer_lowered;
	s6 =	simm.s32 $_tile_overlayer_lowered  }
0x9b: {  	s22 =	simm.s32 $0x1BFF;
	s21 =	sshll.u32 s6, $0x1;
	s3 =	sadd.s32 s4, s19  }
0x9c: {  	s7 =	simm.s32 $0x0;
	s20 =	sshll.u32 s5, $0x1;
	s5 =	sadd.s32 s21, s3  }
0x9d: {  	[timem:s7], [sflag:s22] =	dma.local [hbm:s5], s20  }
0x9e: {  	_ =	swait.ge [sflag:s22], s20  }
0x9f: {  	s4 =	ssub.s32 $0x0, s20;
	[sflag:s22] =	ssyncset.done $0x0  }
0xa0: {  	[sflag:s22] =	ssyncadd.s32 s4;
	_ =	sdelay $0x1  }
0xa1: {  	s23 =	simm.s32 $0x1B8B  }
0xa2: {  	_ =	swait.ge [sflag:s23], $0x1  }
0xa3: {  	[sflag:s23] =	ssyncset.done $0x0  }
0xa4: {  	s25 =	simm.s32 $0x1B8E;
	s24 =	sld [smem:$0x3FFE];
	[sflag:s23] =	ssyncadd.s32 $0xFFFFFFFF  }
0xa5: {  	s26 =	simm.s32 $execute0_lowered;
	[smem:$0x3FD2] =	sst s25  }
0xa6: {  	s5 =	sshll.u32 s26, $0x1;
	_ =	strace $0x80000049;
	[dreg:$0x1] =	wrdreg $0xFFFFFFFF  }
0xa7: {  	s28 =	simm.s32 $_size_execute0_lowered;
	s3 =	sadd.s32 s3, s5;
	[dreg:$0x0] =	wrdreg $0x0  }
0xa8: {  	s5 =	sshll.u32 s28, $0x1;
	[dreg:$0x2] =	wrdreg s3  }
0xa9: {  	[dreg:$0x3] =	wrdreg s5  }
0xaa: {  	[dreg:$0x4] =	wrdreg $0xC0  }
0xab: {  	_ =	task [dreg:s7], $0x5FFFF  }
0xac: {  	[dreg:$0x1] =	wrdreg $0xFFFFFFFF  }
0xad: {  	[dreg:$0x0] =	wrdreg $0x60  }
0xae: {  	[dreg:$0x2] =	wrdreg s2  }
0xaf: {  	[dreg:$0x3] =	wrdreg s24  }
0xb0: {  	[dreg:$0x4] =	wrdreg $0x90800  }
0xb1: {  	[dreg:$0x5] =	wrdreg $0x1D0800  }
0xb2: {  	[dreg:$0x6] =	wrdreg $0x9  }
0xb3: {  	_ =	task.clear_ibuf [dreg:s7], $0x7FFFF;
	_ =	strace $0x90000049  }
0xb4: {  	s29 =	simm.s32 $0x9;
	_ =	strace $0x8000004B  }
0xb5: {  	_ =	swait.ge [sflag:s29], $0x1  }
0xb6: {  	[sflag:s29] =	ssyncadd.s32 $0xFFFFFFFF  }
0xb7: {  	_ =	strace $0x9000004B  }
0xb8: {  	_ =	sfence  }
0xb9: {  	s30 =	sld [smem:$0x0];
	_ =	sdelay $0x2  }
0xba: {  	s31 =	sshll.u32 s1, $0xD;
	s1 =	sshrl.u32 s1, $0x2  }
0xbb: {  	s3 =	sand.u32 $0x4000, s31;
	s1 =	sadd.s32 s1, s30  }
0xbc: {  	s0 =	sor.u32 s3, s0;
	s1 =	sshll.u32 s1, $0x11  }
0xbd: {  	s0 =	sor.u32 s1, s0  }
0xbe: {  	s0 =	sadd.s32 $0x8F2B, s0  }
0xbf: {  	[sflag:s0] =	ssyncadd.remote.s32 $0x1  }
0xc0: {  	_ =	sfence.sel $0xFFFF  }
0xc1: {  	[dreg:$0x0] =	wrdreg $0xFFFFFFFF;
	(pc) =	sbr.abs _section_cstart, $3  }
0xc2: {  	[dreg:$0x1] =	wrdreg $0xFFFFFFFF  }
0xc3: {  	_ =	task.clear_ibuf [dreg:s7], $0x2FFFF;
	_ =	strace $0x9FFFFFFF  }
0xc4: {  	(tm) =	ssettm $0x7FFFFFFF  }
0xc5: {  	_ =	shalt  }
tec
execute0_lowered:
.L_overlay_start_1:
0x0: {  	(tag) =	ssettag $0x1  }
0x1: {  	s0 =	srdreg.scid  }
0x2: {  	s1 =	rddreg [dreg:$0x0];
	s23 =	stileid.u32  }
0x3: {  	s8 =	rddreg [dreg:$0x1];
	s5 =	simm.s32 $0x0;
	s19 =	simm.s32 $0x5000  }
0x4: {  	s20 =	simm.s32 $0x2;
	s28 =	simm.s32 $0x20;
	s13 =	smul.u32 $0x280, s23  }
0x5: {  	s29 =	simm.s32 $0x10;
	s30 =	simm.s32 $0x0;
	s10 =	smul.u32 $0x14000, s23  }
0x6: {  	s2 =	sand.u32 $0x1, s0;
	[smem:$0x7FF] =	sst s5;
	s24 =	smul.u32 $0x500, s23  }
0x7: {  	s12 =	smul.u32 $0x50000, s23;
	s31 =	sshll.u32 s23, $0x6;
	s3 =	sshll.u32 s2, $0x4  }
0x8: {  	s7 =	smul.u32 $0x140000, s2;
	s11 =	sshll.u32 s2, $0x7;
	s2 =	ssub.s32 $0x2, s2  }
0x9: {  	s21 =	sor.u32 $0x1C02, s31;
	s4 =	sor.u32 s23, s3;
	s3 =	rddreg [dreg:$0x2]  }
0xa: {  	s9 =	sshrl.u32 s13, $0x3;
	s25 =	sshrl.u32 s12, $0x2;
	s26 =	sshrl.u32 s2, $0x1  }
0xb: {  	s23 =	simm.s32 $0x9000;
	s6 =	smul.u32 $0x500, s4;
	s4 =	rddreg [dreg:$0x3]  }
0xc: {  	_ =	strace $0x8000004A;
	s14 =	sadd.s32 s9, s8;
	s7 =	sadd.s32 s10, s7  }
0xd: {  	s9 =	sor.u32 s11, s24;
	s2 =	ssub.s32 s2, s26;
	s26 =	simm.s32 $0x1  }
0xe: {  	s10 =	sshrl.u32 s7, $0x3;
	s7 =	sadd.s32 $0x16200, s8;
	s9 =	sshrl.u32 s9, $0x3  }
0xf: {  	s22 =	sadd.s32 s13, s4;
	s13 =	sadd.s32 $0x16400, s14;
	s18 =	smax.u32 s2, $0x1  }
0x10: {  	s15 =	sadd.s32 s6, s8;
	s6 =	sadd.s32 $0x16A00, s8;
	s16 =	sadd.s32 s10, s8  }
0x11: {  	s17 =	sadd.s32 s9, s8;
	s8 =	sadd.s32 s25, s3;
	s22 =	sshrl.u32 s22, $0x3  }
0x12: {  	s25 =	simm.s32 $0x80;
	s9 =	sadd.s32 $0x4000, s8;
	s10 =	sadd.s32 $0x8000, s8  }
0x13: {  	s11 =	sadd.s32 $0xC000, s8;
	s12 =	sadd.s32 $0x10000, s8;
	s14 =	sadd.s32 $0xC200, s15  }
0x14: {  	s15 =	sadd.s32 $0x2200, s15;
	s16 =	sadd.s32 $0x17C00, s16;
	s17 =	sadd.s32 $0x17200, s17  }
.LBB2_1:
0x15: {  	[tilespmem:s19], [sflag:$0x2] =	stream.linear.gather [hbm4b:s6+s5], $0x4000, $0x38;
	[tilespmem:$0x1D300] =	vst v63  }
0x16: {  	_ =	swait.ge [sflag:s20], $0x4000  }
0x17: {  	[sflag:s20] =	ssyncset.done $0x0  }
0x18: {  	[sflag:s20] =	ssyncadd.s32 $0xFFFFC000  }
0x19: {  	[spmem:s8] =	stream.linear.scatter [tilespmem:s19], [sflag:$0x2], $0x4000, $0x38;
	[tilespmem:$0x1D300] =	vst v63  }
0x1a: {  	_ =	swait.ge [sflag:s20], $0x4000  }
0x1b: {  	[sflag:s20] =	ssyncset.done $0x0  }
0x1c: {  	[sflag:s20] =	ssyncadd.s32 $0xFFFFC000  }
0x1d: {  	[spmem:s9] =	stream.linear.scatter [tilespmem:s19], [sflag:$0x2], $0x4000, $0x38;
	[tilespmem:$0x1D300] =	vst v63  }
0x1e: {  	_ =	swait.ge [sflag:s20], $0x4000  }
0x1f: {  	[sflag:s20] =	ssyncset.done $0x0  }
0x20: {  	[sflag:s20] =	ssyncadd.s32 $0xFFFFC000  }
0x21: {  	[spmem:s10] =	stream.linear.scatter [tilespmem:s19], [sflag:$0x2], $0x4000, $0x38;
	[tilespmem:$0x1D300] =	vst v63  }
0x22: {  	_ =	swait.ge [sflag:s20], $0x4000  }
0x23: {  	[sflag:s20] =	ssyncset.done $0x0  }
0x24: {  	[sflag:s20] =	ssyncadd.s32 $0xFFFFC000  }
0x25: {  	[spmem:s11] =	stream.linear.scatter [tilespmem:s19], [sflag:$0x2], $0x4000, $0x38;
	[tilespmem:$0x1D300] =	vst v63  }
0x26: {  	_ =	swait.ge [sflag:s20], $0x4000  }
0x27: {  	[sflag:s20] =	ssyncset.done $0x0  }
0x28: {  	[sflag:s20] =	ssyncadd.s32 $0xFFFFC000  }
0x29: {  	[spmem:s12] =	stream.linear.scatter [tilespmem:s19], [sflag:$0x2], $0x4000, $0x38;
	[tilespmem:$0x1D300] =	vst v63  }
0x2a: {  	_ =	swait.ge [sflag:s20], $0x4000  }
0x2b: {  	[sflag:s20] =	ssyncset.done $0x0  }
0x2c: {  	[sflag:s20] =	ssyncadd.s32 $0xFFFFC000  }
0x2d: {  	[spmem:s22], [sflag:s21] =	dma.local [hbm:s13], $0x50  }
0x2e: {  	_ =	swait.ge [sflag:s20], $0x50  }
0x2f: {  	[sflag:s20] =	ssyncset.done $0x0  }
0x30: {  	[sflag:s20] =	ssyncadd.s32 $0xFFFFFFB0  }
0x31: {  	[tilespmem:s23], [sflag:$0x2] =	stream.linear.gather [hbm4b:s7+s5], $0x80, $0x38;
	[tilespmem:$0x1D300] =	vst v63  }
0x32: {  	_ =	swait.ge [sflag:s20], $0x80  }
0x33: {  	[sflag:s20] =	ssyncset.done $0x0  }
0x34: {  	[sflag:s20] =	ssyncadd.s32 $0xFFFFFF80  }
0x35: {  	[tilespmem:s5], [sflag:$0x2] =	stream.linear.gather [hbm4b:s14+s5], $0x2800, $0x38;
	[tilespmem:$0x1D300] =	vst v63  }
0x36: {  	_ =	swait.ge [sflag:s20], $0x2800  }
0x37: {  	[sflag:s20] =	ssyncset.done $0x0  }
0x38: {  	s0 =	simm.s32 $0x2800;
	[sflag:s20] =	ssyncadd.s32 $0xFFFFD800  }
0x39: {  	[tilespmem:s0], [sflag:$0x2] =	stream.linear.gather [hbm4b:s15+s5], $0x2800, $0x38;
	[tilespmem:$0x1D300] =	vst v63  }
0x3a: {  	_ =	swait.ge [sflag:s20], $0x2800  }
0x3b: {  	[sflag:s20] =	ssyncset.done $0x0  }
0x3c: {  	[sflag:s20] =	ssyncadd.s32 $0xFFFFD800  }
0x3d: {  	s2 =	simm.s32 $0x0;
	[bflag:$0x0] =	sbarrier.arrive $0xFFFF  }
0x3e: {  	[tilespmem:s19], [sflag:$0x1] =	stream.indirect.gather [hbm4b:s1+s25], $0x80, s2, s25, $0xb8;
	[tilespmem:$0x1D300] =	vst v63  }
0x3f: {  	_ =	swait.ge [sflag:s26], $0x4000  }
0x40: {  	[sflag:s26] =	ssyncset.done $0x0  }
0x41: {  	s24 =	simm.s32 $0x2800;
	[sflag:s26] =	ssyncadd.s32 $0xFFFFC000  }
0x42: {  	[spmem:s3] =	stream.indirect.scatter.add.f32 [tilespmem:s19], [sflag:$0x2], $0x80, s24, s25, $0xb8;
	[tilespmem:$0x1D300] =	vst v63  }
0x43: {  	_ =	swait.ge [sflag:s20], $0x4000  }
0x44: {  	[sflag:s20] =	ssyncset.done $0x0  }
0x45: {  	[sflag:s20] =	ssyncadd.s32 $0xFFFFC000  }
0x46: {  	[spmem:s4] =	stream.indirect.scatter.add.f32 [tilespmem:s23], [sflag:$0x2], $0x1, s24, s25, $0xb8;
	[tilespmem:$0x1D300] =	vst v63  }
0x47: {  	_ =	swait.ge [sflag:s20], $0x80  }
0x48: {  	s31 =	simm.s32 $0x200;
	s2 =	simm.s32 $0x400;
	[sflag:s20] =	ssyncset.done $0x0  }
.LBB2_2:
0x49: {  	s0 =	sshra.s32 s31, $0x2  }
0x4a: {  	[sflag:s20] =	ssyncadd.s32 $0xFFFFFF80;
	s31 =	smov.u32 s2;
	s24 =	sadd.s32 $0x200, s2  }
0x4b: {  	[tilespmem:s19], [sflag:$0x1] =	stream.indirect.gather [hbm4b:s1+s25], $0x80, s0, s25, $0xb8;
	[tilespmem:$0x1D300] =	vst v63  }
0x4c: {  	p0 =	sne.s32 s2, $0x9E00;
	_ =	swait.ge [sflag:s26], $0x4000  }
0x4d: {  	[sflag:s26] =	ssyncset.done $0x0  }
0x4e: {  	s0 =	sadd.s32 $0x2800, s0;
	[sflag:s26] =	ssyncadd.s32 $0xFFFFC000  }
0x4f: {  	[spmem:s3] =	stream.indirect.scatter.add.f32 [tilespmem:s19], [sflag:$0x2], $0x80, s0, s25, $0xb8;
	[tilespmem:$0x1D300] =	vst v63  }
0x50: {  	_ =	swait.ge [sflag:s20], $0x4000  }
.Ltmp0:
0x51: {  	[sflag:s20] =	ssyncset.done $0x0;
	(pc) =	sbr.rel @p0 .LBB2_2-.Ltmp0, $4  }
0x52: {  	[sflag:s20] =	ssyncadd.s32 $0xFFFFC000  }
0x53: {  	[spmem:s4] =	stream.indirect.scatter.add.f32 [tilespmem:s23], [sflag:$0x2], $0x1, s0, s25, $0xb8;
	[tilespmem:$0x1D300] =	vst v63  }
0x54: {  	_ =	swait.ge [sflag:s20], $0x80  }
0x55: {  	s2 =	smov.u32 s24;
	[sflag:s20] =	ssyncset.done $0x0  }
0x56: {  	s0 =	sshra.s32 s31, $0x2;
	[sflag:s20] =	ssyncadd.s32 $0xFFFFFF80  }
0x57: {  	[tilespmem:s19], [sflag:$0x1] =	stream.indirect.gather [hbm4b:s1+s25], $0x80, s0, s25, $0xb8;
	[tilespmem:$0x1D300] =	vst v63  }
0x58: {  	_ =	swait.ge [sflag:s26], $0x4000  }
0x59: {  	[sflag:s26] =	ssyncset.done $0x0  }
0x5a: {  	s0 =	sadd.s32 $0x2800, s0;
	[sflag:s26] =	ssyncadd.s32 $0xFFFFC000  }
0x5b: {  	[spmem:s3] =	stream.indirect.scatter.add.f32 [tilespmem:s19], [sflag:$0x2], $0x80, s0, s25, $0xb8;
	[tilespmem:$0x1D300] =	vst v63  }
0x5c: {  	_ =	swait.ge [sflag:s20], $0x4000  }
0x5d: {  	[sflag:s20] =	ssyncset.done $0x0  }
0x5e: {  	[sflag:s20] =	ssyncadd.s32 $0xFFFFC000  }
0x5f: {  	[spmem:s4] =	stream.indirect.scatter.add.f32 [tilespmem:s23], [sflag:$0x2], $0x1, s0, s25, $0xb8;
	[tilespmem:$0x1D300] =	vst v63  }
0x60: {  	_ =	swait.ge [sflag:s20], $0x80  }
0x61: {  	[sflag:s20] =	ssyncset.done $0x0  }
0x62: {  	[sflag:s20] =	ssyncadd.s32 $0xFFFFFF80  }
0x63: {  	s31 =	sshrl.u32 s8, $0x3;
	[bflag:$0x0] =	sbarrier.arrive $0xFFFF  }
0x64: {  	[hbm:s16], [sflag:s21] =	dma.local [spmem:s31], $0x2800  }
0x65: {  	s30 =	sadd.s32 $0x1, s30;
	_ =	swait.ge [sflag:s20], $0x2800  }
0x66: {  	p0 =	sne.s32 s30, s18;
	[sflag:s20] =	ssyncset.done $0x0  }
.Ltmp1:
0x67: {  	[sflag:s20] =	ssyncadd.s32 $0xFFFFD800;
	(pc) =	sbr.rel @p0 .LBB2_1-.Ltmp1, $4  }
0x68: {  	[hbm:s17@s28], [sflag:s21] =	dma.strided [spmem:s22@s29], $0x50, s26, $0x10   }
0x69: {  	_ =	swait.ge [sflag:s20], $0x50  }
0x6a: {  	[sflag:s20] =	ssyncset.done $0x0  }
0x6b: {  	[sflag:s20] =	ssyncadd.s32 $0xFFFFFFB0  }
0x6c: {  	_ =	sfence.sel $0x180000  }
0x6d: {  	[bflag:$0x0] =	sbarrier.arrive $0xFFFF  }
0x6e: {  	_ =	strace $0x9000004A  }
0x6f: {  	s0 =	stileid.u32;
	[bflag:$0x2] =	sbarrier.arrive $0xFFFF  }
0x70: {  	p0 =	sne.s32 s0, $0x0;
	s0 =	rddreg [dreg:$0x4]  }
0x71: {  	s0 =	sadd.s32 @!p0 $0x100000, s0  }
0x72: {  	[sflag:s0] =	ssyncadd.tile.s32 @!p0 $0x1;
	_ =	shalt  }
.Lfunc_end2:
_tile_overlayer_lowered:
.L_overlay_start_2:
0x73: {  	(tag) =	ssettag $0x2  }
0x74: {  	s0 =	rddreg [dreg:$0x0];
	s2 =	stileid.u32  }
0x75: {  	s1 =	rddreg [dreg:$0x1];
	p0 =	sne.s32 s2, $0x0  }
0x76: {  	s3 =	rddreg [dreg:$0x2];
	[bflag:$0x3] =	sbarrier.arrive $0xFFFF;
	s2 =	simm.s32 @!p0 $0x1C02  }
0x77: {  	[timem:s3], [sflag:s2] =	dma.local @!p0 [hbm:s0], s1  }
0x78: {  	s0 =	simm.s32 @!p0 $0x2  }
0x79: {  	_ =	swait.ge @!p0 [sflag:s0], s1  }
0x7a: {  	s1 =	ssub.s32 @!p0 $0x0, s1;
	[sflag:s0] =	ssyncset.done @!p0 $0x0  }
0x7b: {  	[sflag:s0] =	ssyncadd.s32 @!p0 s1  }
0x7c: {  	[bflag:$0x3] =	sbarrier.arrive $0xFFFF  }
0x7d: {  	_ =	shalt  }

</sc_bundles>
